<compile_context>
chip_gen: v7x
topology: tpu7x:2x2x1
jax: 0.10.2.dev20260603
libtpu: 0.0.44.dev20260713+nightly
codegen_flags: <defaults>
</compile_context>

<pallas_src>
import functools

import jax
import jax.numpy as jnp
from jax import lax
from jax.experimental import pallas as pl
from jax.experimental.pallas import tpu as pltpu
from jax.experimental.pallas import tpu_sc as plsc

B = 16384
NS, L = 16, 16
BW = B // NS

OFFS = (0, 7, 13, 25, 29, 35, 40, 44)
TBL = 58


def _body(cs, cu, cc, br, ga, gs, gz, gc, d_hbm, p0_hbm, p1_hbm,
          idx_v, d_v, p0_v, p1_v, sem):
    wid = lax.axis_index("s")
    base = wid * BW

    feats = (cs, cu, cc, br, ga, gs, gz, gc)
    dcopy = pltpu.async_copy(d_hbm, d_v, sem)
    copies = [pltpu.async_copy(feats[f].at[pl.ds(base, BW)], idx_v.at[f], sem)
              for f in range(8)]
    dcopy.wait()
    for c in copies:
        c.wait()

    zero = jnp.zeros((L,), jnp.int32)
    bd = plsc.load_gather(d_v, [zero + TBL])

    @plsc.parallel_loop(0, BW, step=L)
    def _chunk(i):
        acc = bd
        for f in range(8):
            x = idx_v[f, pl.ds(i, L)]
            acc = acc + plsc.load_gather(d_v, [x + OFFS[f]])
        p0 = 1.0 / (1.0 + jnp.exp(-acc))
        p0_v[pl.ds(i, L)] = p0
        p1_v[pl.ds(i, L)] = 1.0 - p0

    out0 = pltpu.async_copy(p0_v, p0_hbm.at[pl.ds(base, BW)], sem)
    out1 = pltpu.async_copy(p1_v, p1_hbm.at[pl.ds(base, BW)], sem)
    out0.wait()
    out1.wait()


_mushroom_sc = functools.partial(
    pl.kernel,
    out_type=(jax.ShapeDtypeStruct((B,), jnp.float32),
              jax.ShapeDtypeStruct((B,), jnp.float32)),
    mesh=plsc.VectorSubcoreMesh(core_axis_name="c", subcore_axis_name="s",
                                num_cores=1),
    compiler_params=pltpu.CompilerParams(
        needs_layout_passes=False,
        disable_bounds_checks=True,
        disable_semaphore_checks=True,
        skip_device_barrier=True,
    ),
    scratch_types=[
        pltpu.VMEM((8, BW), jnp.int32),
        pltpu.VMEM((64,), jnp.float32),
        pltpu.VMEM((BW,), jnp.float32),
        pltpu.VMEM((BW,), jnp.float32),
        pltpu.SemaphoreType.DMA,
    ],
)(_body)


def kernel(cap_shape, cap_surface, cap_color, bruises, odor, gill_attachment,
           gill_spacing, gill_size, gill_color, W, b):
    del odor
    idxs = [x.astype(jnp.int32) for x in
            (cap_shape, cap_surface, cap_color, bruises, gill_attachment,
             gill_spacing, gill_size, gill_color)]
    w = W.astype(jnp.float32)
    bd = (b[0] - b[1]).astype(jnp.float32)
    d = jnp.broadcast_to(bd, (64,)).at[0:TBL].set(w[:, 0] - w[:, 1])
    p0, p1 = _mushroom_sc(*idxs, d)
    return jnp.stack([p0, p1], axis=1)

# --- scband reference (transcript-rebuilt; emitter-appended) ---
"""Pipeline reference for scband-mushroom-classifier-model-88304527606539 (READ-ONLY COPY).

The authoritative reference and input builder live on the scoring server;
editing this copy changes nothing except your own understanding.
"""

import jax, jax.numpy as jnp
import numpy as np

# vocab_size = len(vocabulary) + 2 (mask token '' + 1 OOV index), matching
# tf.keras.layers.experimental.preprocessing.StringLookup defaults.
FEATURES = [
    ("cap_shape", 7),
    ("cap_surface", 6),
    ("cap_color", 12),
    ("bruises", 4),
    ("odor", 11),
    ("gill_attachment", 6),
    ("gill_spacing", 5),
    ("gill_size", 4),
    ("gill_color", 14),
]
# NOTE: the original call() computes odor one-hot but does NOT concatenate it.
CONCAT_DIM = 7 + 6 + 12 + 4 + 6 + 5 + 4 + 14  # = 58


def setup_inputs(seed: int = 0) -> dict:
    key = jax.random.key(seed)
    B = 16384
    inp = {}
    for i, (name, vsize) in enumerate(FEATURES):
        inp[name] = jax.random.randint(jax.random.fold_in(key, i), (B,), 0, vsize).astype(jnp.int64)
    inp["W"] = jax.random.normal(jax.random.fold_in(key, 100), (CONCAT_DIM, 2), dtype=jnp.float32) * 0.05
    inp["b"] = jnp.zeros((2,), dtype=jnp.float32)
    return inp


def reference(cap_shape, cap_surface, cap_color, bruises, odor, gill_attachment, gill_spacing, gill_size, gill_color, W, b):
    # StringLookup already applied upstream: inputs are integer indices.
    # CategoryEncoding in one-hot (count of a single index) mode == one_hot gather.
    cap_shape_1hot = jax.nn.one_hot(cap_shape, 7, dtype=jnp.float32)
    cap_surface_1hot = jax.nn.one_hot(cap_surface, 6, dtype=jnp.float32)
    cap_color_1hot = jax.nn.one_hot(cap_color, 12, dtype=jnp.float32)
    bruises_1hot = jax.nn.one_hot(bruises, 4, dtype=jnp.float32)
    odor_1hot = jax.nn.one_hot(odor, 11, dtype=jnp.float32)  # computed but unused, as in original
    gill_attachment_1hot = jax.nn.one_hot(gill_attachment, 6, dtype=jnp.float32)
    gill_spacing_1hot = jax.nn.one_hot(gill_spacing, 5, dtype=jnp.float32)
    gill_size_1hot = jax.nn.one_hot(gill_size, 4, dtype=jnp.float32)
    gill_color_1hot = jax.nn.one_hot(gill_color, 14, dtype=jnp.float32)
    input_vector = jnp.concatenate([
        cap_shape_1hot, cap_surface_1hot, cap_color_1hot, bruises_1hot,
        gill_attachment_1hot, gill_spacing_1hot, gill_size_1hot, gill_color_1hot,
    ], axis=1)
    logits = input_vector @ W + b
    return jax.nn.softmax(logits, axis=-1)

if __name__ == "__main__":
    import jax
    _d = setup_inputs()
    print(jax.jit(kernel)(*tuple(_d.values())))

</pallas_src>

<mosaic_0001>
#map = affine_map<(d0, d1) -> (0)>
module attributes {stable_mosaic.version = 14 : i64} {
  func.func @_body(%arg0: i32, %arg1: i32, %arg2: memref<16384xi32, #tpu.memory_space<hbm>>, %arg3: memref<16384xi32, #tpu.memory_space<hbm>>, %arg4: memref<16384xi32, #tpu.memory_space<hbm>>, %arg5: memref<16384xi32, #tpu.memory_space<hbm>>, %arg6: memref<16384xi32, #tpu.memory_space<hbm>>, %arg7: memref<16384xi32, #tpu.memory_space<hbm>>, %arg8: memref<16384xi32, #tpu.memory_space<hbm>>, %arg9: memref<16384xi32, #tpu.memory_space<hbm>>, %arg10: memref<64xf32, #tpu.memory_space<hbm>>, %arg11: memref<16384xf32, #tpu.memory_space<hbm>>, %arg12: memref<16384xf32, #tpu.memory_space<hbm>>, %arg13: memref<8x1024xi32, #tpu.memory_space<vmem>>, %arg14: memref<64xf32, #tpu.memory_space<vmem>>, %arg15: memref<1024xf32, #tpu.memory_space<vmem>>, %arg16: memref<1024xf32, #tpu.memory_space<vmem>>, %arg17: memref<!tpu.dma_semaphore, #tpu.memory_space<semaphore_mem>>) attributes {dimension_semantics = [#tpu.dimension_semantics<core_parallel>, #tpu.dimension_semantics<subcore_parallel>], iteration_bounds = array<i64: 1, 16>, scalar_prefetch = 0 : i64, scratch_operands = 5 : i64, tpu.core_type = #tpu.core_type<sc_vector_subcore>, window_params = [{transform_indices = #map}, {transform_indices = #map}, {transform_indices = #map}, {transform_indices = #map}, {transform_indices = #map}, {transform_indices = #map}, {transform_indices = #map}, {transform_indices = #map}, {transform_indices = #map}, {transform_indices = #map}, {transform_indices = #map}]} {
    %mul3A = arith.constant 1024 : i32
    %mul3A_0 = arith.muli %arg1, %mul3A : i32
    tpu.enqueue_dma source(%arg10 : memref<64xf32, #tpu.memory_space<hbm>>) target(%arg14 : memref<64xf32, #tpu.memory_space<vmem>>) target_semaphore(%arg17 : memref<!tpu.dma_semaphore, #tpu.memory_space<semaphore_mem>>)
    %dma_start3A = arith.constant 0 : i32
    %dma_start3A_1 = arith.constant 0 : i32
    %dma_start3A_2 = tpu.memref_slice %arg13[%dma_start3A, %dma_start3A_1] : memref<8x1024xi32, #tpu.memory_space<vmem>> -> memref<1x1024xi32, #tpu.memory_space<vmem>>
    %dma_start3A_3 = tpu.memref_squeeze %dma_start3A_2 : memref<1x1024xi32, #tpu.memory_space<vmem>> -> memref<1024xi32, #tpu.memory_space<vmem>>
    %dma_start3A_4 = tpu.memref_slice %arg2[%mul3A_0] : memref<16384xi32, #tpu.memory_space<hbm>> -> memref<1024xi32, #tpu.memory_space<hbm>>
    %dma_start3A_5 = arith.constant 0 : i32
    %dma_start3A_6 = tpu.memref_slice %arg13[%dma_start3A, %dma_start3A_5] : memref<8x1024xi32, #tpu.memory_space<vmem>> -> memref<1x1024xi32, #tpu.memory_space<vmem>>
    %dma_start3A_7 = tpu.memref_squeeze %dma_start3A_6 : memref<1x1024xi32, #tpu.memory_space<vmem>> -> memref<1024xi32, #tpu.memory_space<vmem>>
    %dma_start3A_8 = tpu.memref_slice %arg2[%mul3A_0] : memref<16384xi32, #tpu.memory_space<hbm>> -> memref<1024xi32, #tpu.memory_space<hbm>>
    tpu.enqueue_dma source(%dma_start3A_8 : memref<1024xi32, #tpu.memory_space<hbm>>) target(%dma_start3A_7 : memref<1024xi32, #tpu.memory_space<vmem>>) target_semaphore(%arg17 : memref<!tpu.dma_semaphore, #tpu.memory_space<semaphore_mem>>)
    %dma_start3A_9 = arith.constant 1 : i32
    %dma_start3A_10 = arith.constant 0 : i32
    %dma_start3A_11 = tpu.memref_slice %arg13[%dma_start3A_9, %dma_start3A_10] : memref<8x1024xi32, #tpu.memory_space<vmem>> -> memref<1x1024xi32, #tpu.memory_space<vmem>>
    %dma_start3A_12 = tpu.memref_squeeze %dma_start3A_11 : memref<1x1024xi32, #tpu.memory_space<vmem>> -> memref<1024xi32, #tpu.memory_space<vmem>>
    %dma_start3A_13 = tpu.memref_slice %arg3[%mul3A_0] : memref<16384xi32, #tpu.memory_space<hbm>> -> memref<1024xi32, #tpu.memory_space<hbm>>
    %dma_start3A_14 = arith.constant 0 : i32
    %dma_start3A_15 = tpu.memref_slice %arg13[%dma_start3A_9, %dma_start3A_14] : memref<8x1024xi32, #tpu.memory_space<vmem>> -> memref<1x1024xi32, #tpu.memory_space<vmem>>
    %dma_start3A_16 = tpu.memref_squeeze %dma_start3A_15 : memref<1x1024xi32, #tpu.memory_space<vmem>> -> memref<1024xi32, #tpu.memory_space<vmem>>
    %dma_start3A_17 = tpu.memref_slice %arg3[%mul3A_0] : memref<16384xi32, #tpu.memory_space<hbm>> -> memref<1024xi32, #tpu.memory_space<hbm>>
    tpu.enqueue_dma source(%dma_start3A_17 : memref<1024xi32, #tpu.memory_space<hbm>>) target(%dma_start3A_16 : memref<1024xi32, #tpu.memory_space<vmem>>) target_semaphore(%arg17 : memref<!tpu.dma_semaphore, #tpu.memory_space<semaphore_mem>>)
    %dma_start3A_18 = arith.constant 2 : i32
    %dma_start3A_19 = arith.constant 0 : i32
    %dma_start3A_20 = tpu.memref_slice %arg13[%dma_start3A_18, %dma_start3A_19] : memref<8x1024xi32, #tpu.memory_space<vmem>> -> memref<1x1024xi32, #tpu.memory_space<vmem>>
    %dma_start3A_21 = tpu.memref_squeeze %dma_start3A_20 : memref<1x1024xi32, #tpu.memory_space<vmem>> -> memref<1024xi32, #tpu.memory_space<vmem>>
    %dma_start3A_22 = tpu.memref_slice %arg4[%mul3A_0] : memref<16384xi32, #tpu.memory_space<hbm>> -> memref<1024xi32, #tpu.memory_space<hbm>>
    %dma_start3A_23 = arith.constant 0 : i32
    %dma_start3A_24 = tpu.memref_slice %arg13[%dma_start3A_18, %dma_start3A_23] : memref<8x1024xi32, #tpu.memory_space<vmem>> -> memref<1x1024xi32, #tpu.memory_space<vmem>>
    %dma_start3A_25 = tpu.memref_squeeze %dma_start3A_24 : memref<1x1024xi32, #tpu.memory_space<vmem>> -> memref<1024xi32, #tpu.memory_space<vmem>>
    %dma_start3A_26 = tpu.memref_slice %arg4[%mul3A_0] : memref<16384xi32, #tpu.memory_space<hbm>> -> memref<1024xi32, #tpu.memory_space<hbm>>
    tpu.enqueue_dma source(%dma_start3A_26 : memref<1024xi32, #tpu.memory_space<hbm>>) target(%dma_start3A_25 : memref<1024xi32, #tpu.memory_space<vmem>>) target_semaphore(%arg17 : memref<!tpu.dma_semaphore, #tpu.memory_space<semaphore_mem>>)
    %dma_start3A_27 = arith.constant 3 : i32
    %dma_start3A_28 = arith.constant 0 : i32
    %dma_start3A_29 = tpu.memref_slice %arg13[%dma_start3A_27, %dma_start3A_28] : memref<8x1024xi32, #tpu.memory_space<vmem>> -> memref<1x1024xi32, #tpu.memory_space<vmem>>
    %dma_start3A_30 = tpu.memref_squeeze %dma_start3A_29 : memref<1x1024xi32, #tpu.memory_space<vmem>> -> memref<1024xi32, #tpu.memory_space<vmem>>
    %dma_start3A_31 = tpu.memref_slice %arg5[%mul3A_0] : memref<16384xi32, #tpu.memory_space<hbm>> -> memref<1024xi32, #tpu.memory_space<hbm>>
    %dma_start3A_32 = arith.constant 0 : i32
    %dma_start3A_33 = tpu.memref_slice %arg13[%dma_start3A_27, %dma_start3A_32] : memref<8x1024xi32, #tpu.memory_space<vmem>> -> memref<1x1024xi32, #tpu.memory_space<vmem>>
    %dma_start3A_34 = tpu.memref_squeeze %dma_start3A_33 : memref<1x1024xi32, #tpu.memory_space<vmem>> -> memref<1024xi32, #tpu.memory_space<vmem>>
    %dma_start3A_35 = tpu.memref_slice %arg5[%mul3A_0] : memref<16384xi32, #tpu.memory_space<hbm>> -> memref<1024xi32, #tpu.memory_space<hbm>>
    tpu.enqueue_dma source(%dma_start3A_35 : memref<1024xi32, #tpu.memory_space<hbm>>) target(%dma_start3A_34 : memref<1024xi32, #tpu.memory_space<vmem>>) target_semaphore(%arg17 : memref<!tpu.dma_semaphore, #tpu.memory_space<semaphore_mem>>)
    %dma_start3A_36 = arith.constant 4 : i32
    %dma_start3A_37 = arith.constant 0 : i32
    %dma_start3A_38 = tpu.memref_slice %arg13[%dma_start3A_36, %dma_start3A_37] : memref<8x1024xi32, #tpu.memory_space<vmem>> -> memref<1x1024xi32, #tpu.memory_space<vmem>>
    %dma_start3A_39 = tpu.memref_squeeze %dma_start3A_38 : memref<1x1024xi32, #tpu.memory_space<vmem>> -> memref<1024xi32, #tpu.memory_space<vmem>>
    %dma_start3A_40 = tpu.memref_slice %arg6[%mul3A_0] : memref<16384xi32, #tpu.memory_space<hbm>> -> memref<1024xi32, #tpu.memory_space<hbm>>
    %dma_start3A_41 = arith.constant 0 : i32
    %dma_start3A_42 = tpu.memref_slice %arg13[%dma_start3A_36, %dma_start3A_41] : memref<8x1024xi32, #tpu.memory_space<vmem>> -> memref<1x1024xi32, #tpu.memory_space<vmem>>
    %dma_start3A_43 = tpu.memref_squeeze %dma_start3A_42 : memref<1x1024xi32, #tpu.memory_space<vmem>> -> memref<1024xi32, #tpu.memory_space<vmem>>
    %dma_start3A_44 = tpu.memref_slice %arg6[%mul3A_0] : memref<16384xi32, #tpu.memory_space<hbm>> -> memref<1024xi32, #tpu.memory_space<hbm>>
    tpu.enqueue_dma source(%dma_start3A_44 : memref<1024xi32, #tpu.memory_space<hbm>>) target(%dma_start3A_43 : memref<1024xi32, #tpu.memory_space<vmem>>) target_semaphore(%arg17 : memref<!tpu.dma_semaphore, #tpu.memory_space<semaphore_mem>>)
    %dma_start3A_45 = arith.constant 5 : i32
    %dma_start3A_46 = arith.constant 0 : i32
    %dma_start3A_47 = tpu.memref_slice %arg13[%dma_start3A_45, %dma_start3A_46] : memref<8x1024xi32, #tpu.memory_space<vmem>> -> memref<1x1024xi32, #tpu.memory_space<vmem>>
    %dma_start3A_48 = tpu.memref_squeeze %dma_start3A_47 : memref<1x1024xi32, #tpu.memory_space<vmem>> -> memref<1024xi32, #tpu.memory_space<vmem>>
    %dma_start3A_49 = tpu.memref_slice %arg7[%mul3A_0] : memref<16384xi32, #tpu.memory_space<hbm>> -> memref<1024xi32, #tpu.memory_space<hbm>>
    %dma_start3A_50 = arith.constant 0 : i32
    %dma_start3A_51 = tpu.memref_slice %arg13[%dma_start3A_45, %dma_start3A_50] : memref<8x1024xi32, #tpu.memory_space<vmem>> -> memref<1x1024xi32, #tpu.memory_space<vmem>>
    %dma_start3A_52 = tpu.memref_squeeze %dma_start3A_51 : memref<1x1024xi32, #tpu.memory_space<vmem>> -> memref<1024xi32, #tpu.memory_space<vmem>>
    %dma_start3A_53 = tpu.memref_slice %arg7[%mul3A_0] : memref<16384xi32, #tpu.memory_space<hbm>> -> memref<1024xi32, #tpu.memory_space<hbm>>
    tpu.enqueue_dma source(%dma_start3A_53 : memref<1024xi32, #tpu.memory_space<hbm>>) target(%dma_start3A_52 : memref<1024xi32, #tpu.memory_space<vmem>>) target_semaphore(%arg17 : memref<!tpu.dma_semaphore, #tpu.memory_space<semaphore_mem>>)
    %dma_start3A_54 = arith.constant 6 : i32
    %dma_start3A_55 = arith.constant 0 : i32
    %dma_start3A_56 = tpu.memref_slice %arg13[%dma_start3A_54, %dma_start3A_55] : memref<8x1024xi32, #tpu.memory_space<vmem>> -> memref<1x1024xi32, #tpu.memory_space<vmem>>
    %dma_start3A_57 = tpu.memref_squeeze %dma_start3A_56 : memref<1x1024xi32, #tpu.memory_space<vmem>> -> memref<1024xi32, #tpu.memory_space<vmem>>
    %dma_start3A_58 = tpu.memref_slice %arg8[%mul3A_0] : memref<16384xi32, #tpu.memory_space<hbm>> -> memref<1024xi32, #tpu.memory_space<hbm>>
    %dma_start3A_59 = arith.constant 0 : i32
    %dma_start3A_60 = tpu.memref_slice %arg13[%dma_start3A_54, %dma_start3A_59] : memref<8x1024xi32, #tpu.memory_space<vmem>> -> memref<1x1024xi32, #tpu.memory_space<vmem>>
    %dma_start3A_61 = tpu.memref_squeeze %dma_start3A_60 : memref<1x1024xi32, #tpu.memory_space<vmem>> -> memref<1024xi32, #tpu.memory_space<vmem>>
    %dma_start3A_62 = tpu.memref_slice %arg8[%mul3A_0] : memref<16384xi32, #tpu.memory_space<hbm>> -> memref<1024xi32, #tpu.memory_space<hbm>>
    tpu.enqueue_dma source(%dma_start3A_62 : memref<1024xi32, #tpu.memory_space<hbm>>) target(%dma_start3A_61 : memref<1024xi32, #tpu.memory_space<vmem>>) target_semaphore(%arg17 : memref<!tpu.dma_semaphore, #tpu.memory_space<semaphore_mem>>)
    %dma_start3A_63 = arith.constant 7 : i32
    %dma_start3A_64 = arith.constant 0 : i32
    %dma_start3A_65 = tpu.memref_slice %arg13[%dma_start3A_63, %dma_start3A_64] : memref<8x1024xi32, #tpu.memory_space<vmem>> -> memref<1x1024xi32, #tpu.memory_space<vmem>>
    %dma_start3A_66 = tpu.memref_squeeze %dma_start3A_65 : memref<1x1024xi32, #tpu.memory_space<vmem>> -> memref<1024xi32, #tpu.memory_space<vmem>>
    %dma_start3A_67 = tpu.memref_slice %arg9[%mul3A_0] : memref<16384xi32, #tpu.memory_space<hbm>> -> memref<1024xi32, #tpu.memory_space<hbm>>
    %dma_start3A_68 = arith.constant 0 : i32
    %dma_start3A_69 = tpu.memref_slice %arg13[%dma_start3A_63, %dma_start3A_68] : memref<8x1024xi32, #tpu.memory_space<vmem>> -> memref<1x1024xi32, #tpu.memory_space<vmem>>
    %dma_start3A_70 = tpu.memref_squeeze %dma_start3A_69 : memref<1x1024xi32, #tpu.memory_space<vmem>> -> memref<1024xi32, #tpu.memory_space<vmem>>
    %dma_start3A_71 = tpu.memref_slice %arg9[%mul3A_0] : memref<16384xi32, #tpu.memory_space<hbm>> -> memref<1024xi32, #tpu.memory_space<hbm>>
    tpu.enqueue_dma source(%dma_start3A_71 : memref<1024xi32, #tpu.memory_space<hbm>>) target(%dma_start3A_70 : memref<1024xi32, #tpu.memory_space<vmem>>) target_semaphore(%arg17 : memref<!tpu.dma_semaphore, #tpu.memory_space<semaphore_mem>>)
    tpu.wait_dma2 semaphore(%arg17 : memref<!tpu.dma_semaphore, #tpu.memory_space<semaphore_mem>>) src(%arg10 : memref<64xf32, #tpu.memory_space<hbm>>) dst(%arg14 : memref<64xf32, #tpu.memory_space<vmem>>)
    %dma_wait3A = arith.constant 0 : i32
    %dma_wait3A_72 = arith.constant 0 : i32
    %dma_wait3A_73 = tpu.memref_slice %arg13[%dma_wait3A, %dma_wait3A_72] : memref<8x1024xi32, #tpu.memory_space<vmem>> -> memref<1x1024xi32, #tpu.memory_space<vmem>>
    %dma_wait3A_74 = tpu.memref_squeeze %dma_wait3A_73 : memref<1x1024xi32, #tpu.memory_space<vmem>> -> memref<1024xi32, #tpu.memory_space<vmem>>
    %dma_wait3A_75 = tpu.memref_slice %arg2[%mul3A_0] : memref<16384xi32, #tpu.memory_space<hbm>> -> memref<1024xi32, #tpu.memory_space<hbm>>
    %dma_wait3A_76 = arith.constant 0 : i32
    %dma_wait3A_77 = tpu.memref_slice %arg13[%dma_wait3A, %dma_wait3A_76] : memref<8x1024xi32, #tpu.memory_space<vmem>> -> memref<1x1024xi32, #tpu.memory_space<vmem>>
    %dma_wait3A_78 = tpu.memref_squeeze %dma_wait3A_77 : memref<1x1024xi32, #tpu.memory_space<vmem>> -> memref<1024xi32, #tpu.memory_space<vmem>>
    %dma_wait3A_79 = tpu.memref_slice %arg2[%mul3A_0] : memref<16384xi32, #tpu.memory_space<hbm>> -> memref<1024xi32, #tpu.memory_space<hbm>>
    tpu.wait_dma2 semaphore(%arg17 : memref<!tpu.dma_semaphore, #tpu.memory_space<semaphore_mem>>) src(%dma_wait3A_79 : memref<1024xi32, #tpu.memory_space<hbm>>) dst(%dma_wait3A_78 : memref<1024xi32, #tpu.memory_space<vmem>>)
    %dma_wait3A_80 = arith.constant 1 : i32
    %dma_wait3A_81 = arith.constant 0 : i32
    %dma_wait3A_82 = tpu.memref_slice %arg13[%dma_wait3A_80, %dma_wait3A_81] : memref<8x1024xi32, #tpu.memory_space<vmem>> -> memref<1x1024xi32, #tpu.memory_space<vmem>>
    %dma_wait3A_83 = tpu.memref_squeeze %dma_wait3A_82 : memref<1x1024xi32, #tpu.memory_space<vmem>> -> memref<1024xi32, #tpu.memory_space<vmem>>
    %dma_wait3A_84 = tpu.memref_slice %arg3[%mul3A_0] : memref<16384xi32, #tpu.memory_space<hbm>> -> memref<1024xi32, #tpu.memory_space<hbm>>
    %dma_wait3A_85 = arith.constant 0 : i32
    %dma_wait3A_86 = tpu.memref_slice %arg13[%dma_wait3A_80, %dma_wait3A_85] : memref<8x1024xi32, #tpu.memory_space<vmem>> -> memref<1x1024xi32, #tpu.memory_space<vmem>>
    %dma_wait3A_87 = tpu.memref_squeeze %dma_wait3A_86 : memref<1x1024xi32, #tpu.memory_space<vmem>> -> memref<1024xi32, #tpu.memory_space<vmem>>
    %dma_wait3A_88 = tpu.memref_slice %arg3[%mul3A_0] : memref<16384xi32, #tpu.memory_space<hbm>> -> memref<1024xi32, #tpu.memory_space<hbm>>
    tpu.wait_dma2 semaphore(%arg17 : memref<!tpu.dma_semaphore, #tpu.memory_space<semaphore_mem>>) src(%dma_wait3A_88 : memref<1024xi32, #tpu.memory_space<hbm>>) dst(%dma_wait3A_87 : memref<1024xi32, #tpu.memory_space<vmem>>)
    %dma_wait3A_89 = arith.constant 2 : i32
    %dma_wait3A_90 = arith.constant 0 : i32
    %dma_wait3A_91 = tpu.memref_slice %arg13[%dma_wait3A_89, %dma_wait3A_90] : memref<8x1024xi32, #tpu.memory_space<vmem>> -> memref<1x1024xi32, #tpu.memory_space<vmem>>
    %dma_wait3A_92 = tpu.memref_squeeze %dma_wait3A_91 : memref<1x1024xi32, #tpu.memory_space<vmem>> -> memref<1024xi32, #tpu.memory_space<vmem>>
    %dma_wait3A_93 = tpu.memref_slice %arg4[%mul3A_0] : memref<16384xi32, #tpu.memory_space<hbm>> -> memref<1024xi32, #tpu.memory_space<hbm>>
    %dma_wait3A_94 = arith.constant 0 : i32
    %dma_wait3A_95 = tpu.memref_slice %arg13[%dma_wait3A_89, %dma_wait3A_94] : memref<8x1024xi32, #tpu.memory_space<vmem>> -> memref<1x1024xi32, #tpu.memory_space<vmem>>
    %dma_wait3A_96 = tpu.memref_squeeze %dma_wait3A_95 : memref<1x1024xi32, #tpu.memory_space<vmem>> -> memref<1024xi32, #tpu.memory_space<vmem>>
    %dma_wait3A_97 = tpu.memref_slice %arg4[%mul3A_0] : memref<16384xi32, #tpu.memory_space<hbm>> -> memref<1024xi32, #tpu.memory_space<hbm>>
    tpu.wait_dma2 semaphore(%arg17 : memref<!tpu.dma_semaphore, #tpu.memory_space<semaphore_mem>>) src(%dma_wait3A_97 : memref<1024xi32, #tpu.memory_space<hbm>>) dst(%dma_wait3A_96 : memref<1024xi32, #tpu.memory_space<vmem>>)
    %dma_wait3A_98 = arith.constant 3 : i32
    %dma_wait3A_99 = arith.constant 0 : i32
    %dma_wait3A_100 = tpu.memref_slice %arg13[%dma_wait3A_98, %dma_wait3A_99] : memref<8x1024xi32, #tpu.memory_space<vmem>> -> memref<1x1024xi32, #tpu.memory_space<vmem>>
    %dma_wait3A_101 = tpu.memref_squeeze %dma_wait3A_100 : memref<1x1024xi32, #tpu.memory_space<vmem>> -> memref<1024xi32, #tpu.memory_space<vmem>>
    %dma_wait3A_102 = tpu.memref_slice %arg5[%mul3A_0] : memref<16384xi32, #tpu.memory_space<hbm>> -> memref<1024xi32, #tpu.memory_space<hbm>>
    %dma_wait3A_103 = arith.constant 0 : i32
    %dma_wait3A_104 = tpu.memref_slice %arg13[%dma_wait3A_98, %dma_wait3A_103] : memref<8x1024xi32, #tpu.memory_space<vmem>> -> memref<1x1024xi32, #tpu.memory_space<vmem>>
    %dma_wait3A_105 = tpu.memref_squeeze %dma_wait3A_104 : memref<1x1024xi32, #tpu.memory_space<vmem>> -> memref<1024xi32, #tpu.memory_space<vmem>>
    %dma_wait3A_106 = tpu.memref_slice %arg5[%mul3A_0] : memref<16384xi32, #tpu.memory_space<hbm>> -> memref<1024xi32, #tpu.memory_space<hbm>>
    tpu.wait_dma2 semaphore(%arg17 : memref<!tpu.dma_semaphore, #tpu.memory_space<semaphore_mem>>) src(%dma_wait3A_106 : memref<1024xi32, #tpu.memory_space<hbm>>) dst(%dma_wait3A_105 : memref<1024xi32, #tpu.memory_space<vmem>>)
    %dma_wait3A_107 = arith.constant 4 : i32
    %dma_wait3A_108 = arith.constant 0 : i32
    %dma_wait3A_109 = tpu.memref_slice %arg13[%dma_wait3A_107, %dma_wait3A_108] : memref<8x1024xi32, #tpu.memory_space<vmem>> -> memref<1x1024xi32, #tpu.memory_space<vmem>>
    %dma_wait3A_110 = tpu.memref_squeeze %dma_wait3A_109 : memref<1x1024xi32, #tpu.memory_space<vmem>> -> memref<1024xi32, #tpu.memory_space<vmem>>
    %dma_wait3A_111 = tpu.memref_slice %arg6[%mul3A_0] : memref<16384xi32, #tpu.memory_space<hbm>> -> memref<1024xi32, #tpu.memory_space<hbm>>
    %dma_wait3A_112 = arith.constant 0 : i32
    %dma_wait3A_113 = tpu.memref_slice %arg13[%dma_wait3A_107, %dma_wait3A_112] : memref<8x1024xi32, #tpu.memory_space<vmem>> -> memref<1x1024xi32, #tpu.memory_space<vmem>>
    %dma_wait3A_114 = tpu.memref_squeeze %dma_wait3A_113 : memref<1x1024xi32, #tpu.memory_space<vmem>> -> memref<1024xi32, #tpu.memory_space<vmem>>
    %dma_wait3A_115 = tpu.memref_slice %arg6[%mul3A_0] : memref<16384xi32, #tpu.memory_space<hbm>> -> memref<1024xi32, #tpu.memory_space<hbm>>
    tpu.wait_dma2 semaphore(%arg17 : memref<!tpu.dma_semaphore, #tpu.memory_space<semaphore_mem>>) src(%dma_wait3A_115 : memref<1024xi32, #tpu.memory_space<hbm>>) dst(%dma_wait3A_114 : memref<1024xi32, #tpu.memory_space<vmem>>)
    %dma_wait3A_116 = arith.constant 5 : i32
    %dma_wait3A_117 = arith.constant 0 : i32
    %dma_wait3A_118 = tpu.memref_slice %arg13[%dma_wait3A_116, %dma_wait3A_117] : memref<8x1024xi32, #tpu.memory_space<vmem>> -> memref<1x1024xi32, #tpu.memory_space<vmem>>
    %dma_wait3A_119 = tpu.memref_squeeze %dma_wait3A_118 : memref<1x1024xi32, #tpu.memory_space<vmem>> -> memref<1024xi32, #tpu.memory_space<vmem>>
    %dma_wait3A_120 = tpu.memref_slice %arg7[%mul3A_0] : memref<16384xi32, #tpu.memory_space<hbm>> -> memref<1024xi32, #tpu.memory_space<hbm>>
    %dma_wait3A_121 = arith.constant 0 : i32
    %dma_wait3A_122 = tpu.memref_slice %arg13[%dma_wait3A_116, %dma_wait3A_121] : memref<8x1024xi32, #tpu.memory_space<vmem>> -> memref<1x1024xi32, #tpu.memory_space<vmem>>
    %dma_wait3A_123 = tpu.memref_squeeze %dma_wait3A_122 : memref<1x1024xi32, #tpu.memory_space<vmem>> -> memref<1024xi32, #tpu.memory_space<vmem>>
    %dma_wait3A_124 = tpu.memref_slice %arg7[%mul3A_0] : memref<16384xi32, #tpu.memory_space<hbm>> -> memref<1024xi32, #tpu.memory_space<hbm>>
    tpu.wait_dma2 semaphore(%arg17 : memref<!tpu.dma_semaphore, #tpu.memory_space<semaphore_mem>>) src(%dma_wait3A_124 : memref<1024xi32, #tpu.memory_space<hbm>>) dst(%dma_wait3A_123 : memref<1024xi32, #tpu.memory_space<vmem>>)
    %dma_wait3A_125 = arith.constant 6 : i32
    %dma_wait3A_126 = arith.constant 0 : i32
    %dma_wait3A_127 = tpu.memref_slice %arg13[%dma_wait3A_125, %dma_wait3A_126] : memref<8x1024xi32, #tpu.memory_space<vmem>> -> memref<1x1024xi32, #tpu.memory_space<vmem>>
    %dma_wait3A_128 = tpu.memref_squeeze %dma_wait3A_127 : memref<1x1024xi32, #tpu.memory_space<vmem>> -> memref<1024xi32, #tpu.memory_space<vmem>>
    %dma_wait3A_129 = tpu.memref_slice %arg8[%mul3A_0] : memref<16384xi32, #tpu.memory_space<hbm>> -> memref<1024xi32, #tpu.memory_space<hbm>>
    %dma_wait3A_130 = arith.constant 0 : i32
    %dma_wait3A_131 = tpu.memref_slice %arg13[%dma_wait3A_125, %dma_wait3A_130] : memref<8x1024xi32, #tpu.memory_space<vmem>> -> memref<1x1024xi32, #tpu.memory_space<vmem>>
    %dma_wait3A_132 = tpu.memref_squeeze %dma_wait3A_131 : memref<1x1024xi32, #tpu.memory_space<vmem>> -> memref<1024xi32, #tpu.memory_space<vmem>>
    %dma_wait3A_133 = tpu.memref_slice %arg8[%mul3A_0] : memref<16384xi32, #tpu.memory_space<hbm>> -> memref<1024xi32, #tpu.memory_space<hbm>>
    tpu.wait_dma2 semaphore(%arg17 : memref<!tpu.dma_semaphore, #tpu.memory_space<semaphore_mem>>) src(%dma_wait3A_133 : memref<1024xi32, #tpu.memory_space<hbm>>) dst(%dma_wait3A_132 : memref<1024xi32, #tpu.memory_space<vmem>>)
    %dma_wait3A_134 = arith.constant 7 : i32
    %dma_wait3A_135 = arith.constant 0 : i32
    %dma_wait3A_136 = tpu.memref_slice %arg13[%dma_wait3A_134, %dma_wait3A_135] : memref<8x1024xi32, #tpu.memory_space<vmem>> -> memref<1x1024xi32, #tpu.memory_space<vmem>>
    %dma_wait3A_137 = tpu.memref_squeeze %dma_wait3A_136 : memref<1x1024xi32, #tpu.memory_space<vmem>> -> memref<1024xi32, #tpu.memory_space<vmem>>
    %dma_wait3A_138 = tpu.memref_slice %arg9[%mul3A_0] : memref<16384xi32, #tpu.memory_space<hbm>> -> memref<1024xi32, #tpu.memory_space<hbm>>
    %dma_wait3A_139 = arith.constant 0 : i32
    %dma_wait3A_140 = tpu.memref_slice %arg13[%dma_wait3A_134, %dma_wait3A_139] : memref<8x1024xi32, #tpu.memory_space<vmem>> -> memref<1x1024xi32, #tpu.memory_space<vmem>>
    %dma_wait3A_141 = tpu.memref_squeeze %dma_wait3A_140 : memref<1x1024xi32, #tpu.memory_space<vmem>> -> memref<1024xi32, #tpu.memory_space<vmem>>
    %dma_wait3A_142 = tpu.memref_slice %arg9[%mul3A_0] : memref<16384xi32, #tpu.memory_space<hbm>> -> memref<1024xi32, #tpu.memory_space<hbm>>
    tpu.wait_dma2 semaphore(%arg17 : memref<!tpu.dma_semaphore, #tpu.memory_space<semaphore_mem>>) src(%dma_wait3A_142 : memref<1024xi32, #tpu.memory_space<hbm>>) dst(%dma_wait3A_141 : memref<1024xi32, #tpu.memory_space<vmem>>)
    %broadcast_in_dim3A = arith.constant 0 : i32
    %broadcast_in_dim3A_143 = vector.broadcast %broadcast_in_dim3A : i32 to vector<16xi32>
    %add3A = arith.constant 58 : i32
    %add3A_144 = vector.broadcast %add3A : i32 to vector<16xi32>
    %add3A_145 = arith.addi %broadcast_in_dim3A_143, %add3A_144 : vector<16xi32>
    %gather3A = tpu.vector_load_idx %arg14[%add3A_145] : memref<64xf32, #tpu.memory_space<vmem>>[vector<16xi32>], vector<16xf32>,
    %parallel_loop3A = arith.constant 0 : i32
    %parallel_loop3A_146 = arith.constant 1024 : i32
    %parallel_loop3A_147 = arith.constant 16 : i32
    scf.for %parallel_loop3A_156 = %parallel_loop3A to %parallel_loop3A_146 step %parallel_loop3A_147  : i32 {
      %parallel_loop3A_157 = arith.constant 0 : i32
      %parallel_loop3A_158 = arith.index_cast %parallel_loop3A_157 : i32 to index
      %parallel_loop3A_159 = arith.index_cast %parallel_loop3A_156 : i32 to index
      %parallel_loop3A_160 = tpu.vector_load %arg13[%parallel_loop3A_158, %parallel_loop3A_159] {strides = array<i32>} : memref<8x1024xi32, #tpu.memory_space<vmem>>, vector<16xi32>,
      %parallel_loop3A_161 = arith.constant 0 : i32
      %parallel_loop3A_162 = vector.broadcast %parallel_loop3A_161 : i32 to vector<16xi32>
      %parallel_loop3A_163 = arith.addi %parallel_loop3A_160, %parallel_loop3A_162 : vector<16xi32>
      %parallel_loop3A_164 = tpu.vector_load_idx %arg14[%parallel_loop3A_163] : memref<64xf32, #tpu.memory_space<vmem>>[vector<16xi32>], vector<16xf32>,
      %parallel_loop3A_165 = arith.addf %gather3A, %parallel_loop3A_164 : vector<16xf32>
      %parallel_loop3A_166 = arith.constant 1 : i32
      %parallel_loop3A_167 = arith.index_cast %parallel_loop3A_166 : i32 to index
      %parallel_loop3A_168 = arith.index_cast %parallel_loop3A_156 : i32 to index
      %parallel_loop3A_169 = tpu.vector_load %arg13[%parallel_loop3A_167, %parallel_loop3A_168] {strides = array<i32>} : memref<8x1024xi32, #tpu.memory_space<vmem>>, vector<16xi32>,
      %parallel_loop3A_170 = arith.constant 7 : i32
      %parallel_loop3A_171 = vector.broadcast %parallel_loop3A_170 : i32 to vector<16xi32>
      %parallel_loop3A_172 = arith.addi %parallel_loop3A_169, %parallel_loop3A_171 : vector<16xi32>
      %parallel_loop3A_173 = tpu.vector_load_idx %arg14[%parallel_loop3A_172] : memref<64xf32, #tpu.memory_space<vmem>>[vector<16xi32>], vector<16xf32>,
      %parallel_loop3A_174 = arith.addf %parallel_loop3A_165, %parallel_loop3A_173 : vector<16xf32>
      %parallel_loop3A_175 = arith.constant 2 : i32
      %parallel_loop3A_176 = arith.index_cast %parallel_loop3A_175 : i32 to index
      %parallel_loop3A_177 = arith.index_cast %parallel_loop3A_156 : i32 to index
      %parallel_loop3A_178 = tpu.vector_load %arg13[%parallel_loop3A_176, %parallel_loop3A_177] {strides = array<i32>} : memref<8x1024xi32, #tpu.memory_space<vmem>>, vector<16xi32>,
      %parallel_loop3A_179 = arith.constant 13 : i32
      %parallel_loop3A_180 = vector.broadcast %parallel_loop3A_179 : i32 to vector<16xi32>
      %parallel_loop3A_181 = arith.addi %parallel_loop3A_178, %parallel_loop3A_180 : vector<16xi32>
      %parallel_loop3A_182 = tpu.vector_load_idx %arg14[%parallel_loop3A_181] : memref<64xf32, #tpu.memory_space<vmem>>[vector<16xi32>], vector<16xf32>,
      %parallel_loop3A_183 = arith.addf %parallel_loop3A_174, %parallel_loop3A_182 : vector<16xf32>
      %parallel_loop3A_184 = arith.constant 3 : i32
      %parallel_loop3A_185 = arith.index_cast %parallel_loop3A_184 : i32 to index
      %parallel_loop3A_186 = arith.index_cast %parallel_loop3A_156 : i32 to index
      %parallel_loop3A_187 = tpu.vector_load %arg13[%parallel_loop3A_185, %parallel_loop3A_186] {strides = array<i32>} : memref<8x1024xi32, #tpu.memory_space<vmem>>, vector<16xi32>,
      %parallel_loop3A_188 = arith.constant 25 : i32
      %parallel_loop3A_189 = vector.broadcast %parallel_loop3A_188 : i32 to vector<16xi32>
      %parallel_loop3A_190 = arith.addi %parallel_loop3A_187, %parallel_loop3A_189 : vector<16xi32>
      %parallel_loop3A_191 = tpu.vector_load_idx %arg14[%parallel_loop3A_190] : memref<64xf32, #tpu.memory_space<vmem>>[vector<16xi32>], vector<16xf32>,
      %parallel_loop3A_192 = arith.addf %parallel_loop3A_183, %parallel_loop3A_191 : vector<16xf32>
      %parallel_loop3A_193 = arith.constant 4 : i32
      %parallel_loop3A_194 = arith.index_cast %parallel_loop3A_193 : i32 to index
      %parallel_loop3A_195 = arith.index_cast %parallel_loop3A_156 : i32 to index
      %parallel_loop3A_196 = tpu.vector_load %arg13[%parallel_loop3A_194, %parallel_loop3A_195] {strides = array<i32>} : memref<8x1024xi32, #tpu.memory_space<vmem>>, vector<16xi32>,
      %parallel_loop3A_197 = arith.constant 29 : i32
      %parallel_loop3A_198 = vector.broadcast %parallel_loop3A_197 : i32 to vector<16xi32>
      %parallel_loop3A_199 = arith.addi %parallel_loop3A_196, %parallel_loop3A_198 : vector<16xi32>
      %parallel_loop3A_200 = tpu.vector_load_idx %arg14[%parallel_loop3A_199] : memref<64xf32, #tpu.memory_space<vmem>>[vector<16xi32>], vector<16xf32>,
      %parallel_loop3A_201 = arith.addf %parallel_loop3A_192, %parallel_loop3A_200 : vector<16xf32>
      %parallel_loop3A_202 = arith.constant 5 : i32
      %parallel_loop3A_203 = arith.index_cast %parallel_loop3A_202 : i32 to index
      %parallel_loop3A_204 = arith.index_cast %parallel_loop3A_156 : i32 to index
      %parallel_loop3A_205 = tpu.vector_load %arg13[%parallel_loop3A_203, %parallel_loop3A_204] {strides = array<i32>} : memref<8x1024xi32, #tpu.memory_space<vmem>>, vector<16xi32>,
      %parallel_loop3A_206 = arith.constant 35 : i32
      %parallel_loop3A_207 = vector.broadcast %parallel_loop3A_206 : i32 to vector<16xi32>
      %parallel_loop3A_208 = arith.addi %parallel_loop3A_205, %parallel_loop3A_207 : vector<16xi32>
      %parallel_loop3A_209 = tpu.vector_load_idx %arg14[%parallel_loop3A_208] : memref<64xf32, #tpu.memory_space<vmem>>[vector<16xi32>], vector<16xf32>,
      %parallel_loop3A_210 = arith.addf %parallel_loop3A_201, %parallel_loop3A_209 : vector<16xf32>
      %parallel_loop3A_211 = arith.constant 6 : i32
      %parallel_loop3A_212 = arith.index_cast %parallel_loop3A_211 : i32 to index
      %parallel_loop3A_213 = arith.index_cast %parallel_loop3A_156 : i32 to index
      %parallel_loop3A_214 = tpu.vector_load %arg13[%parallel_loop3A_212, %parallel_loop3A_213] {strides = array<i32>} : memref<8x1024xi32, #tpu.memory_space<vmem>>, vector<16xi32>,
      %parallel_loop3A_215 = arith.constant 40 : i32
      %parallel_loop3A_216 = vector.broadcast %parallel_loop3A_215 : i32 to vector<16xi32>
      %parallel_loop3A_217 = arith.addi %parallel_loop3A_214, %parallel_loop3A_216 : vector<16xi32>
      %parallel_loop3A_218 = tpu.vector_load_idx %arg14[%parallel_loop3A_217] : memref<64xf32, #tpu.memory_space<vmem>>[vector<16xi32>], vector<16xf32>,
      %parallel_loop3A_219 = arith.addf %parallel_loop3A_210, %parallel_loop3A_218 : vector<16xf32>
      %parallel_loop3A_220 = arith.constant 7 : i32
      %parallel_loop3A_221 = arith.index_cast %parallel_loop3A_220 : i32 to index
      %parallel_loop3A_222 = arith.index_cast %parallel_loop3A_156 : i32 to index
      %parallel_loop3A_223 = tpu.vector_load %arg13[%parallel_loop3A_221, %parallel_loop3A_222] {strides = array<i32>} : memref<8x1024xi32, #tpu.memory_space<vmem>>, vector<16xi32>,
      %parallel_loop3A_224 = arith.constant 44 : i32
      %parallel_loop3A_225 = vector.broadcast %parallel_loop3A_224 : i32 to vector<16xi32>
      %parallel_loop3A_226 = arith.addi %parallel_loop3A_223, %parallel_loop3A_225 : vector<16xi32>
      %parallel_loop3A_227 = tpu.vector_load_idx %arg14[%parallel_loop3A_226] : memref<64xf32, #tpu.memory_space<vmem>>[vector<16xi32>], vector<16xf32>,
      %parallel_loop3A_228 = arith.addf %parallel_loop3A_219, %parallel_loop3A_227 : vector<16xf32>
      %parallel_loop3A_229 = arith.constant 0.000000e+00 : f32
      %parallel_loop3A_230 = vector.broadcast %parallel_loop3A_229 : f32 to vector<16xf32>
      %parallel_loop3A_231 = arith.subf %parallel_loop3A_230, %parallel_loop3A_228 : vector<16xf32>
      %parallel_loop3A_232 = math.exp %parallel_loop3A_231 : vector<16xf32>
      %parallel_loop3A_233 = arith.constant 1.000000e+00 : f32
      %parallel_loop3A_234 = vector.broadcast %parallel_loop3A_233 : f32 to vector<16xf32>
      %parallel_loop3A_235 = arith.addf %parallel_loop3A_234, %parallel_loop3A_232 : vector<16xf32>
      %parallel_loop3A_236 = arith.constant 1.000000e+00 : f32
      %parallel_loop3A_237 = vector.broadcast %parallel_loop3A_236 : f32 to vector<16xf32>
      %parallel_loop3A_238 = arith.divf %parallel_loop3A_237, %parallel_loop3A_235 : vector<16xf32>
      %parallel_loop3A_239 = arith.index_cast %parallel_loop3A_156 : i32 to index
      %parallel_loop3A_240 = tpu.vector_load %arg15[%parallel_loop3A_239] {strides = array<i32>} : memref<1024xf32, #tpu.memory_space<vmem>>, vector<16xf32>,
      tpu.vector_store %arg15[%parallel_loop3A_239], %parallel_loop3A_238 {strides = array<i32>} : memref<1024xf32, #tpu.memory_space<vmem>>, vector<16xf32>,
      %parallel_loop3A_241 = arith.constant 1.000000e+00 : f32
      %parallel_loop3A_242 = vector.broadcast %parallel_loop3A_241 : f32 to vector<16xf32>
      %parallel_loop3A_243 = arith.subf %parallel_loop3A_242, %parallel_loop3A_238 : vector<16xf32>
      %parallel_loop3A_244 = arith.index_cast %parallel_loop3A_156 : i32 to index
      %parallel_loop3A_245 = tpu.vector_load %arg16[%parallel_loop3A_244] {strides = array<i32>} : memref<1024xf32, #tpu.memory_space<vmem>>, vector<16xf32>,
      tpu.vector_store %arg16[%parallel_loop3A_244], %parallel_loop3A_243 {strides = array<i32>} : memref<1024xf32, #tpu.memory_space<vmem>>, vector<16xf32>,
    } {sc.loop_unroll_factor = 1 : i64, sc.parallel_access}
    %dma_start3A_148 = tpu.memref_slice %arg11[%mul3A_0] : memref<16384xf32, #tpu.memory_space<hbm>> -> memref<1024xf32, #tpu.memory_space<hbm>>
    %dma_start3A_149 = tpu.memref_slice %arg11[%mul3A_0] : memref<16384xf32, #tpu.memory_space<hbm>> -> memref<1024xf32, #tpu.memory_space<hbm>>
    tpu.enqueue_dma source(%arg15 : memref<1024xf32, #tpu.memory_space<vmem>>) target(%dma_start3A_149 : memref<1024xf32, #tpu.memory_space<hbm>>) target_semaphore(%arg17 : memref<!tpu.dma_semaphore, #tpu.memory_space<semaphore_mem>>)
    %dma_start3A_150 = tpu.memref_slice %arg12[%mul3A_0] : memref<16384xf32, #tpu.memory_space<hbm>> -> memref<1024xf32, #tpu.memory_space<hbm>>
    %dma_start3A_151 = tpu.memref_slice %arg12[%mul3A_0] : memref<16384xf32, #tpu.memory_space<hbm>> -> memref<1024xf32, #tpu.memory_space<hbm>>
    tpu.enqueue_dma source(%arg16 : memref<1024xf32, #tpu.memory_space<vmem>>) target(%dma_start3A_151 : memref<1024xf32, #tpu.memory_space<hbm>>) target_semaphore(%arg17 : memref<!tpu.dma_semaphore, #tpu.memory_space<semaphore_mem>>)
    %dma_wait3A_152 = tpu.memref_slice %arg11[%mul3A_0] : memref<16384xf32, #tpu.memory_space<hbm>> -> memref<1024xf32, #tpu.memory_space<hbm>>
    %dma_wait3A_153 = tpu.memref_slice %arg11[%mul3A_0] : memref<16384xf32, #tpu.memory_space<hbm>> -> memref<1024xf32, #tpu.memory_space<hbm>>
    tpu.wait_dma2 semaphore(%arg17 : memref<!tpu.dma_semaphore, #tpu.memory_space<semaphore_mem>>) src(%arg15 : memref<1024xf32, #tpu.memory_space<vmem>>) dst(%dma_wait3A_153 : memref<1024xf32, #tpu.memory_space<hbm>>)
    %dma_wait3A_154 = tpu.memref_slice %arg12[%mul3A_0] : memref<16384xf32, #tpu.memory_space<hbm>> -> memref<1024xf32, #tpu.memory_space<hbm>>
    %dma_wait3A_155 = tpu.memref_slice %arg12[%mul3A_0] : memref<16384xf32, #tpu.memory_space<hbm>> -> memref<1024xf32, #tpu.memory_space<hbm>>
    tpu.wait_dma2 semaphore(%arg17 : memref<!tpu.dma_semaphore, #tpu.memory_space<semaphore_mem>>) src(%arg16 : memref<1024xf32, #tpu.memory_space<vmem>>) dst(%dma_wait3A_155 : memref<1024xf32, #tpu.memory_space<hbm>>)
    return
  }
}

</mosaic_0001>

<sc_bundles>
// kernel: kernel.3.cloned.1.call-start
scs
__scs_entry_jumppad:
0x0: {  	(pc) =	sbr.rel $0x88, $3  }
0x1: {  	(tag) =	ssettag $0x0;
	lr =	simm.s32 $0x1  }
0x2: {  	[smem:$0x3F97] =	sst lr;
	_ =	strace $0xD0000000  }
0x3: {  	_ = 	snop  }
0x4: {  	_ = 	snop  }
0x5: {  	_ = 	snop  }
0x6: {  	_ = 	snop  }
0x7: {  	_ = 	snop  }
__scs_overlays_trampoline_lowered:
0x8: {  	[smem:$0x3FA6] =	sst s0  }
0x9: {  	[smem:$0x3FA7] =	sst s1  }
0xa: {  	[smem:$0x3FA8] =	sst s2  }
0xb: {  	[smem:$0x3FA9] =	sst s3  }
0xc: {  	[smem:$0x3FAA] =	sst s4  }
0xd: {  	[smem:$0x3FAB] =	sst s5  }
0xe: {  	[smem:$0x3FAC] =	sst s6  }
0xf: {  	[smem:$0x3FAD] =	sst s7  }
0x10: {  	[smem:$0x3FAE] =	sst s8  }
0x11: {  	[smem:$0x3FAF] =	sst s9;
	s0 =	simm.s32 @!p0 $0x0  }
0x12: {  	s1 =	sld [smem:$0x3F95];
	s0 =	simm.s32 @p0 $0x1  }
0x13: {  	[smem:$0x3FB0] =	sst s0;
	s0 =	simm.s32 @!p1 $0x0  }
0x14: {  	s2 =	sld [smem:$0x3F94];
	s0 =	simm.s32 @p1 $0x1  }
0x15: {  	[smem:$0x3FB1] =	sst s0;
	s0 =	simm.s32 @!p2 $0x0  }
0x16: {  	s3 =	sld [smem:$0x3FDB];
	s0 =	simm.s32 @p2 $0x1  }
0x17: {  	s4 =	simm.s32 $0x1BF5;
	[smem:$0x3FB3] =	sst s0  }
0x18: {  	s0 =	sld [smem:$0x3F96];
	_ =	swait.ge [sflag:s4], $0x0  }
0x19: {  	s7 =	sld [smem:$0x3F97]  }
0x1a: {  	s8 =	sadd.s32 $0xFFFFE003, lr  }
0x1b: {  	s9 =	sadd.s32 $0xFFFFFEF7, lr;
	s5 =	simm.s32 $0xFFFFFFFF;
	p2 =	slt.u32 s8, $0xFFFFF086  }
0x1c: {  	p1 =	slt.u32 s9, $0xF7A;
	s5 =	simm.s32 @!p2 $0x0  }
0x1d: {  	s5 =	simm.s32 @p1 $0x1;
	p0 =	seq.s32 s7, s2  }
0x1e: {  	s7 =	smul.u32 @!p0 $0xF7A, s2;
	p2 =	seq.s32 @!p0 s5, $0x0  }
0x1f: {  	s9 =	smul.u32 $0xF7A, s1;
	s8 =	simm.s32 @!p0 $0x1BF5;
	p2 =	por !p2, p0  }
0x20: {  	[sflag:s8] =	ssyncset.s32 @!p0 $0xFFFFF086;
	s6 =	sadd.s32 @!p0 s3, s7;
	s7 =	simm.s32 @!p0 $0x108  }
0x21: {  	s3 =	sadd.s32 s3, s9;
	s6 =	sadd.s32 @!p0 $0x88, s6;
	s7 =	simm.s32 @p2 $0x1082  }
0x22: {  	[simem:s7], [sflag:s8] =	dma.local @!p0 [hbm:s6], $0xF7A  }
0x23: {  	s9 =	sor.u32 $0xD0000000, s2;
	s6 =	simm.s32 $0x108;
	_ =	swait.ge @!p0 [sflag:s8], $0x0  }
0x24: {  	s3 =	sadd.s32 $0x88, s3;
	s6 =	simm.s32 @!p1 $0x1082;
	[sflag:s4] =	ssyncset.s32 $0xFFFFF086  }
0x25: {  	[simem:s6], [sflag:s4] =	dma.local [hbm:s3], $0xF7A  }
0x26: {  	[smem:$0x3F97] =	sst s1;
	(tag) =	ssettag s2;
	_ =	strace s9  }
0x27: {  	s1 =	sld [smem:$0x3FA7]  }
0x28: {  	s2 =	sld [smem:$0x3FA8]  }
0x29: {  	s4 =	sld [smem:$0x3FAA]  }
0x2a: {  	p0 =	seq.s32 s5, $0x0;
	s5 =	sld [smem:$0x3FAB]  }
0x2b: {  	s6 =	sld [smem:$0x3FAC]  }
0x2c: {  	s7 =	sld [smem:$0x3FAD]  }
0x2d: {  	s3 =	simm.s32 $0x108;
	s8 =	sld [smem:$0x3FAE]  }
0x2e: {  	s3 =	simm.s32 @!p0 $0x1082;
	s9 =	sld [smem:$0x3FAF]  }
0x2f: {  	lr =	sadd.s32 s0, s3;
	s0 =	sld [smem:$0x3FA6]  }
0x30: {  	s3 =	sld [smem:$0x3FA9]  }
0x31: {  	[smem:$0x3FB2] =	sst s10  }
0x32: {  	s10 =	sld [smem:$0x3FB0];
	_ =	sdelay $0x3  }
0x33: {  	p0 =	seq.s32 s10, $0x1;
	s10 =	sld [smem:$0x3FB2];
	_ =	sdelay $0x3  }
0x34: {  	[smem:$0x3FB2] =	sst s10  }
0x35: {  	s10 =	sld [smem:$0x3FB1];
	_ =	sdelay $0x3  }
0x36: {  	p1 =	seq.s32 s10, $0x1;
	s10 =	sld [smem:$0x3FB2];
	_ =	sdelay $0x3  }
0x37: {  	[smem:$0x3FB2] =	sst s10  }
0x38: {  	s10 =	sld [smem:$0x3FB3]  }
0x39: {  	_ = 	snop;
	(pc) =	sbr.ind lr, $3  }
0x3a: {  	_ = 	snop  }
0x3b: {  	_ = 	snop  }
0x3c: {  	p2 =	seq.s32 s10, $0x1;
	s10 =	sld [smem:$0x3FB2]  }
0x3d: {  	_ =	shalt  }
0x3e: {  	_ =	shalt  }
0x3f: {  	_ =	shalt  }
0x40: {  	_ =	shalt  }
0x41: {  	_ =	shalt  }
0x42: {  	_ =	shalt  }
0x43: {  	_ =	shalt  }
0x44: {  	_ =	shalt  }
0x45: {  	_ =	shalt  }
0x46: {  	_ =	shalt  }
0x47: {  	_ =	shalt  }
0x48: {  	_ =	shalt  }
0x49: {  	_ =	shalt  }
0x4a: {  	_ =	shalt  }
0x4b: {  	_ =	shalt  }
0x4c: {  	_ =	shalt  }
0x4d: {  	_ =	shalt  }
0x4e: {  	_ =	shalt  }
0x4f: {  	_ =	shalt  }
0x50: {  	_ =	shalt  }
0x51: {  	_ =	shalt  }
0x52: {  	_ =	shalt  }
0x53: {  	_ =	shalt  }
0x54: {  	_ =	shalt  }
0x55: {  	_ =	shalt  }
0x56: {  	_ =	shalt  }
0x57: {  	_ =	shalt  }
0x58: {  	_ =	shalt  }
0x59: {  	_ =	shalt  }
0x5a: {  	_ =	shalt  }
0x5b: {  	_ =	shalt  }
0x5c: {  	_ =	shalt  }
0x5d: {  	_ =	shalt  }
0x5e: {  	_ =	shalt  }
0x5f: {  	_ =	shalt  }
0x60: {  	_ =	shalt  }
0x61: {  	_ =	shalt  }
0x62: {  	_ =	shalt  }
0x63: {  	_ =	shalt  }
0x64: {  	_ =	shalt  }
0x65: {  	_ =	shalt  }
0x66: {  	_ =	shalt  }
0x67: {  	_ =	shalt  }
0x68: {  	_ =	shalt  }
0x69: {  	_ =	shalt  }
0x6a: {  	_ =	shalt  }
0x6b: {  	_ =	shalt  }
0x6c: {  	_ =	shalt  }
0x6d: {  	_ =	shalt  }
0x6e: {  	_ =	shalt  }
0x6f: {  	_ =	shalt  }
0x70: {  	_ =	shalt  }
0x71: {  	_ =	shalt  }
0x72: {  	_ =	shalt  }
0x73: {  	_ =	shalt  }
0x74: {  	_ =	shalt  }
0x75: {  	_ =	shalt  }
0x76: {  	_ =	shalt  }
0x77: {  	_ =	shalt  }
0x78: {  	_ =	shalt  }
0x79: {  	_ =	shalt  }
0x7a: {  	_ =	shalt  }
0x7b: {  	_ =	shalt  }
0x7c: {  	_ =	shalt  }
0x7d: {  	_ =	shalt  }
0x7e: {  	_ =	shalt  }
0x7f: {  	_ =	shalt  }
0x80: {  	_ =	shalt  }
0x81: {  	_ =	shalt  }
0x82: {  	_ =	shalt  }
0x83: {  	_ =	shalt  }
0x84: {  	_ =	shalt  }
0x85: {  	_ =	shalt  }
0x86: {  	_ =	shalt  }
0x87: {  	_ =	shalt  }
.Lfunc_end0:
.L_simem_size_0:
called_computation_lowered:
.L_overlay_start_0:
0x88: {  	s0 =	sld [smem:$0x3FD9]  }
0x89: {  	s1 =	sld [smem:$0x3FFE];
	_ =	sdelay $0x3  }
0x8a: {  	s0 =	sadd.s32 s1, s0  }
0x8b: {  	[smem:$0x3FBE] =	sst s0  }
0x8c: {  	_ = 	snop  }
0x8d: {  	s0 =	sld [smem:$0x3FC9]  }
0x8e: {  	s16 =	sld [smem:$0x3FC8]  }
0x8f: {  	s2 =	sld [smem:$0x3FC7]  }
0x90: {  	s3 =	sld [smem:$0x3FC6]  }
0x91: {  	s4 =	sld [smem:$0x3FC5]  }
0x92: {  	s5 =	sld [smem:$0x3FC4]  }
0x93: {  	s6 =	sld [smem:$0x3FC3]  }
0x94: {  	s7 =	sld [smem:$0x3FC2];
	(tm) =	ssettm $0x1  }
0x95: {  	s8 =	sld [smem:$0x3FFB];
	_ =	sdelay $0x3  }
0x96: {  	_ =	strace s8  }
0x97: {  	s8 =	sld [smem:$0x3FFC];
	_ =	sdelay $0x3  }
0x98: {  	_ =	strace s8  }
0x99: {  	s8 =	sld [smem:$0x3FFD];
	_ =	sdelay $0x3  }
0x9a: {  	_ =	strace s8  }
0x9b: {  	_ =	strace $0x8FFFFFFF  }
0x9c: {  	s17 =	sld [smem:$0x3FDB];
	_ =	sdelay $0x1  }
0x9d: {  	s9 =	simm.s32 $_scs_section_size  }
0x9e: {  	s10 =	simm.s32 $_size__tile_overlayer_lowered;
	s11 =	simm.s32 $_tile_overlayer_lowered  }
0x9f: {  	s20 =	simm.s32 $0x1BFF;
	s19 =	sshll.u32 s11, $0x1;
	s8 =	sadd.s32 s9, s17  }
0xa0: {  	s12 =	simm.s32 $0x0;
	s18 =	sshll.u32 s10, $0x1;
	s10 =	sadd.s32 s19, s8  }
0xa1: {  	[timem:s12], [sflag:s20] =	dma.local [hbm:s10], s18  }
0xa2: {  	_ =	swait.ge [sflag:s20], s18  }
0xa3: {  	s9 =	ssub.s32 $0x0, s18;
	[sflag:s20] =	ssyncset.done $0x0  }
0xa4: {  	[sflag:s20] =	ssyncadd.s32 s9;
	_ =	sdelay $0x1  }
0xa5: {  	s21 =	simm.s32 $0x1B8B  }
0xa6: {  	_ =	swait.ge [sflag:s21], $0x1  }
0xa7: {  	[sflag:s21] =	ssyncset.done $0x0  }
0xa8: {  	s23 =	simm.s32 $0x1B8E;
	s22 =	sld [smem:$0x3FFE];
	[sflag:s21] =	ssyncadd.s32 $0xFFFFFFFF  }
0xa9: {  	s24 =	simm.s32 $execute0_lowered;
	[smem:$0x3FD2] =	sst s23  }
0xaa: {  	s10 =	sshll.u32 s24, $0x1;
	_ =	strace $0x80000046;
	[dreg:$0x1] =	wrdreg $0xFFFFFFFF  }
0xab: {  	s25 =	simm.s32 $_size_execute0_lowered;
	s8 =	sadd.s32 s8, s10;
	[dreg:$0x0] =	wrdreg $0x0  }
0xac: {  	s10 =	sshll.u32 s25, $0x1;
	[dreg:$0x2] =	wrdreg s8  }
0xad: {  	[dreg:$0x3] =	wrdreg s10  }
0xae: {  	[dreg:$0x4] =	wrdreg $0xC0  }
0xaf: {  	_ =	task [dreg:s12], $0x5FFFF  }
0xb0: {  	[dreg:$0x1] =	wrdreg $0xFFFFFFFF  }
0xb1: {  	[dreg:$0x0] =	wrdreg $0x60  }
0xb2: {  	[dreg:$0x2] =	wrdreg s0  }
0xb3: {  	[dreg:$0x3] =	wrdreg s16  }
0xb4: {  	[dreg:$0x4] =	wrdreg s2  }
0xb5: {  	[dreg:$0x5] =	wrdreg s3  }
0xb6: {  	[dreg:$0x6] =	wrdreg s4  }
0xb7: {  	[dreg:$0x7] =	wrdreg s5  }
0xb8: {  	[dreg:$0x8] =	wrdreg s6  }
0xb9: {  	[dreg:$0x9] =	wrdreg s7  }
0xba: {  	[dreg:$0xa] =	wrdreg s22  }
0xbb: {  	[dreg:$0xb] =	wrdreg $0x9  }
0xbc: {  	_ =	task.clear_ibuf [dreg:s12], $0xCFFFF;
	_ =	strace $0x90000046  }
0xbd: {  	s26 =	simm.s32 $0x9;
	_ =	strace $0x80000048  }
0xbe: {  	_ =	swait.ge [sflag:s26], $0x1  }
0xbf: {  	[sflag:s26] =	ssyncadd.s32 $0xFFFFFFFF  }
0xc0: {  	_ =	strace $0x90000048  }
0xc1: {  	_ =	sfence  }
0xc2: {  	s28 =	sld [smem:$0x0];
	_ =	sdelay $0x1  }
0xc3: {  	s29 =	srdreg.scid  }
0xc4: {  	s30 =	sshll.u32 s29, $0xD;
	s31 =	sshrl.u32 s29, $0x2  }
0xc5: {  	s1 =	sand.u32 $0x1, s29;
	s2 =	sand.u32 $0x4000, s30;
	s0 =	sadd.s32 s31, s28  }
0xc6: {  	s1 =	sor.u32 s2, s1;
	s0 =	sshll.u32 s0, $0x11  }
0xc7: {  	s0 =	sor.u32 s0, s1  }
0xc8: {  	s0 =	sadd.s32 $0x8F2B, s0  }
0xc9: {  	[sflag:s0] =	ssyncadd.remote.s32 $0x1  }
0xca: {  	_ =	sfence.sel $0xFFFF  }
0xcb: {  	[dreg:$0x0] =	wrdreg $0xFFFFFFFF;
	(pc) =	sbr.abs _section_cstart, $3  }
0xcc: {  	[dreg:$0x1] =	wrdreg $0xFFFFFFFF  }
0xcd: {  	_ =	task.clear_ibuf [dreg:s12], $0x2FFFF;
	_ =	strace $0x9FFFFFFF  }
0xce: {  	(tm) =	ssettm $0x7FFFFFFF  }
0xcf: {  	_ =	shalt  }
tec
execute0_lowered:
.L_overlay_start_1:
0x0: {  	(tag) =	ssettag $0x1  }
0x1: {  	s12 =	rddreg [dreg:$0x0]  }
0x2: {  	s13 =	rddreg [dreg:$0x1]  }
0x3: {  	s11 =	rddreg [dreg:$0x2]  }
0x4: {  	s10 =	rddreg [dreg:$0x3]  }
0x5: {  	s9 =	rddreg [dreg:$0x4]  }
0x6: {  	s8 =	rddreg [dreg:$0x5]  }
0x7: {  	s7 =	rddreg [dreg:$0x6]  }
0x8: {  	s6 =	rddreg [dreg:$0x7]  }
0x9: {  	s4 =	rddreg [dreg:$0x8]  }
0xa: {  	s0 =	rddreg [dreg:$0x9];
	s5 =	simm.s32 $0x0  }
0xb: {  	s1 =	stileid.u32;
	s3 =	simm.s32 $0x2000;
	[smem:$0x7FF] =	sst s5  }
0xc: {  	s14 =	sadd.s32 $0xE00, s4;
	s2 =	sshll.u32 s1, $0x7;
	_ =	strace $0x80000047  }
0xd: {  	[tilespmem:s3], [sflag:$0x1] =	stream.linear.gather [hbm4b:s14+s5], $0x80, $0x38;
	[tilespmem:$0x2880] =	vst v63  }
0xe: {  	s12 =	sadd.s32 s12, s2  }
0xf: {  	[tilespmem:s5], [sflag:$0x1] =	stream.linear.gather [hbm4b:s12+s5], $0x80, $0x38;
	[tilespmem:$0x2880] =	vst v63  }
0x10: {  	s15 =	simm.s32 $0x400;
	s22 =	sadd.s32 $0x10, s12  }
0x11: {  	[tilespmem:s15], [sflag:$0x1] =	stream.linear.gather [hbm4b:s22+s5], $0x80, $0x38;
	[tilespmem:$0x2880] =	vst v63  }
0x12: {  	s24 =	simm.s32 $0x800;
	s23 =	sadd.s32 $0x20, s12  }
0x13: {  	[tilespmem:s24], [sflag:$0x1] =	stream.linear.gather [hbm4b:s23+s5], $0x80, $0x38;
	[tilespmem:$0x2880] =	vst v63  }
0x14: {  	s26 =	simm.s32 $0xC00;
	s25 =	sadd.s32 $0x30, s12  }
0x15: {  	[tilespmem:s26], [sflag:$0x1] =	stream.linear.gather [hbm4b:s25+s5], $0x80, $0x38;
	[tilespmem:$0x2880] =	vst v63  }
0x16: {  	s29 =	simm.s32 $0x1000;
	s28 =	sadd.s32 $0x40, s12  }
0x17: {  	[tilespmem:s29], [sflag:$0x1] =	stream.linear.gather [hbm4b:s28+s5], $0x80, $0x38;
	[tilespmem:$0x2880] =	vst v63  }
0x18: {  	s31 =	simm.s32 $0x1400;
	s30 =	sadd.s32 $0x50, s12  }
0x19: {  	[tilespmem:s31], [sflag:$0x1] =	stream.linear.gather [hbm4b:s30+s5], $0x80, $0x38;
	[tilespmem:$0x2880] =	vst v63  }
0x1a: {  	s17 =	simm.s32 $0x1800;
	s16 =	sadd.s32 $0x60, s12  }
0x1b: {  	[tilespmem:s17], [sflag:$0x1] =	stream.linear.gather [hbm4b:s16+s5], $0x80, $0x38;
	[tilespmem:$0x2880] =	vst v63  }
0x1c: {  	s18 =	simm.s32 $0x1C00;
	s12 =	sadd.s32 $0x70, s12  }
0x1d: {  	[tilespmem:s18], [sflag:$0x1] =	stream.linear.gather [hbm4b:s12+s5], $0x80, $0x38;
	[tilespmem:$0x2880] =	vst v63  }
0x1e: {  	s20 =	simm.s32 $0x80;
	s19 =	sadd.s32 s13, s2  }
0x1f: {  	[tilespmem:s20], [sflag:$0x1] =	stream.linear.gather [hbm4b:s19+s5], $0x80, $0x38;
	[tilespmem:$0x2880] =	vst v63  }
0x20: {  	s21 =	sadd.s32 $0x10, s19;
	s22 =	simm.s32 $0x480  }
0x21: {  	[tilespmem:s22], [sflag:$0x1] =	stream.linear.gather [hbm4b:s21+s5], $0x80, $0x38;
	[tilespmem:$0x2880] =	vst v63  }
0x22: {  	s23 =	sadd.s32 $0x20, s19;
	s24 =	simm.s32 $0x880  }
0x23: {  	[tilespmem:s24], [sflag:$0x1] =	stream.linear.gather [hbm4b:s23+s5], $0x80, $0x38;
	[tilespmem:$0x2880] =	vst v63  }
0x24: {  	s25 =	sadd.s32 $0x30, s19;
	s26 =	simm.s32 $0xC80  }
0x25: {  	[tilespmem:s26], [sflag:$0x1] =	stream.linear.gather [hbm4b:s25+s5], $0x80, $0x38;
	[tilespmem:$0x2880] =	vst v63  }
0x26: {  	s28 =	sadd.s32 $0x40, s19;
	s29 =	simm.s32 $0x1080  }
0x27: {  	[tilespmem:s29], [sflag:$0x1] =	stream.linear.gather [hbm4b:s28+s5], $0x80, $0x38;
	[tilespmem:$0x2880] =	vst v63  }
0x28: {  	s30 =	sadd.s32 $0x50, s19;
	s31 =	simm.s32 $0x1480  }
0x29: {  	[tilespmem:s31], [sflag:$0x1] =	stream.linear.gather [hbm4b:s30+s5], $0x80, $0x38;
	[tilespmem:$0x2880] =	vst v63  }
0x2a: {  	s15 =	sadd.s32 $0x60, s19;
	s16 =	simm.s32 $0x1880  }
0x2b: {  	[tilespmem:s16], [sflag:$0x1] =	stream.linear.gather [hbm4b:s15+s5], $0x80, $0x38;
	[tilespmem:$0x2880] =	vst v63  }
0x2c: {  	s17 =	simm.s32 $0x1C80;
	s12 =	sadd.s32 $0x70, s19  }
0x2d: {  	[tilespmem:s17], [sflag:$0x1] =	stream.linear.gather [hbm4b:s12+s5], $0x80, $0x38;
	[tilespmem:$0x2880] =	vst v63  }
0x2e: {  	s11 =	sadd.s32 s11, s2;
	s18 =	simm.s32 $0x100  }
0x2f: {  	[tilespmem:s18], [sflag:$0x1] =	stream.linear.gather [hbm4b:s11+s5], $0x80, $0x38;
	[tilespmem:$0x2880] =	vst v63  }
0x30: {  	s19 =	sadd.s32 $0x10, s11;
	s20 =	simm.s32 $0x500  }
0x31: {  	[tilespmem:s20], [sflag:$0x1] =	stream.linear.gather [hbm4b:s19+s5], $0x80, $0x38;
	[tilespmem:$0x2880] =	vst v63  }
0x32: {  	s21 =	sadd.s32 $0x20, s11;
	s22 =	simm.s32 $0x900  }
0x33: {  	[tilespmem:s22], [sflag:$0x1] =	stream.linear.gather [hbm4b:s21+s5], $0x80, $0x38;
	[tilespmem:$0x2880] =	vst v63  }
0x34: {  	s23 =	sadd.s32 $0x30, s11;
	s24 =	simm.s32 $0xD00  }
0x35: {  	[tilespmem:s24], [sflag:$0x1] =	stream.linear.gather [hbm4b:s23+s5], $0x80, $0x38;
	[tilespmem:$0x2880] =	vst v63  }
0x36: {  	s25 =	sadd.s32 $0x40, s11;
	s26 =	simm.s32 $0x1100  }
0x37: {  	[tilespmem:s26], [sflag:$0x1] =	stream.linear.gather [hbm4b:s25+s5], $0x80, $0x38;
	[tilespmem:$0x2880] =	vst v63  }
0x38: {  	s28 =	sadd.s32 $0x50, s11;
	s29 =	simm.s32 $0x1500  }
0x39: {  	[tilespmem:s29], [sflag:$0x1] =	stream.linear.gather [hbm4b:s28+s5], $0x80, $0x38;
	[tilespmem:$0x2880] =	vst v63  }
0x3a: {  	s30 =	sadd.s32 $0x60, s11;
	s31 =	simm.s32 $0x1900  }
0x3b: {  	[tilespmem:s31], [sflag:$0x1] =	stream.linear.gather [hbm4b:s30+s5], $0x80, $0x38;
	[tilespmem:$0x2880] =	vst v63  }
0x3c: {  	s13 =	simm.s32 $0x1D00;
	s11 =	sadd.s32 $0x70, s11  }
0x3d: {  	[tilespmem:s13], [sflag:$0x1] =	stream.linear.gather [hbm4b:s11+s5], $0x80, $0x38;
	[tilespmem:$0x2880] =	vst v63  }
0x3e: {  	s10 =	sadd.s32 s10, s2;
	s14 =	simm.s32 $0x180  }
0x3f: {  	[tilespmem:s14], [sflag:$0x1] =	stream.linear.gather [hbm4b:s10+s5], $0x80, $0x38;
	[tilespmem:$0x2880] =	vst v63  }
0x40: {  	s15 =	sadd.s32 $0x10, s10;
	s16 =	simm.s32 $0x580  }
0x41: {  	[tilespmem:s16], [sflag:$0x1] =	stream.linear.gather [hbm4b:s15+s5], $0x80, $0x38;
	[tilespmem:$0x2880] =	vst v63  }
0x42: {  	s17 =	sadd.s32 $0x20, s10;
	s18 =	simm.s32 $0x980  }
0x43: {  	[tilespmem:s18], [sflag:$0x1] =	stream.linear.gather [hbm4b:s17+s5], $0x80, $0x38;
	[tilespmem:$0x2880] =	vst v63  }
0x44: {  	s19 =	sadd.s32 $0x30, s10;
	s20 =	simm.s32 $0xD80  }
0x45: {  	[tilespmem:s20], [sflag:$0x1] =	stream.linear.gather [hbm4b:s19+s5], $0x80, $0x38;
	[tilespmem:$0x2880] =	vst v63  }
0x46: {  	s21 =	sadd.s32 $0x40, s10;
	s22 =	simm.s32 $0x1180  }
0x47: {  	[tilespmem:s22], [sflag:$0x1] =	stream.linear.gather [hbm4b:s21+s5], $0x80, $0x38;
	[tilespmem:$0x2880] =	vst v63  }
0x48: {  	s23 =	sadd.s32 $0x50, s10;
	s24 =	simm.s32 $0x1580  }
0x49: {  	[tilespmem:s24], [sflag:$0x1] =	stream.linear.gather [hbm4b:s23+s5], $0x80, $0x38;
	[tilespmem:$0x2880] =	vst v63  }
0x4a: {  	s25 =	sadd.s32 $0x60, s10;
	s26 =	simm.s32 $0x1980  }
0x4b: {  	[tilespmem:s26], [sflag:$0x1] =	stream.linear.gather [hbm4b:s25+s5], $0x80, $0x38;
	[tilespmem:$0x2880] =	vst v63  }
0x4c: {  	s28 =	simm.s32 $0x1D80;
	s10 =	sadd.s32 $0x70, s10  }
0x4d: {  	[tilespmem:s28], [sflag:$0x1] =	stream.linear.gather [hbm4b:s10+s5], $0x80, $0x38;
	[tilespmem:$0x2880] =	vst v63  }
0x4e: {  	s9 =	sadd.s32 s9, s2;
	s29 =	simm.s32 $0x200  }
0x4f: {  	[tilespmem:s29], [sflag:$0x1] =	stream.linear.gather [hbm4b:s9+s5], $0x80, $0x38;
	[tilespmem:$0x2880] =	vst v63  }
0x50: {  	s30 =	sadd.s32 $0x10, s9;
	s31 =	simm.s32 $0x600  }
0x51: {  	[tilespmem:s31], [sflag:$0x1] =	stream.linear.gather [hbm4b:s30+s5], $0x80, $0x38;
	[tilespmem:$0x2880] =	vst v63  }
0x52: {  	s12 =	simm.s32 $0xA00;
	s11 =	sadd.s32 $0x20, s9  }
0x53: {  	[tilespmem:s12], [sflag:$0x1] =	stream.linear.gather [hbm4b:s11+s5], $0x80, $0x38;
	[tilespmem:$0x2880] =	vst v63  }
0x54: {  	s13 =	sadd.s32 $0x30, s9;
	s14 =	simm.s32 $0xE00  }
0x55: {  	[tilespmem:s14], [sflag:$0x1] =	stream.linear.gather [hbm4b:s13+s5], $0x80, $0x38;
	[tilespmem:$0x2880] =	vst v63  }
0x56: {  	s15 =	sadd.s32 $0x40, s9;
	s16 =	simm.s32 $0x1200  }
0x57: {  	[tilespmem:s16], [sflag:$0x1] =	stream.linear.gather [hbm4b:s15+s5], $0x80, $0x38;
	[tilespmem:$0x2880] =	vst v63  }
0x58: {  	s17 =	sadd.s32 $0x50, s9;
	s18 =	simm.s32 $0x1600  }
0x59: {  	[tilespmem:s18], [sflag:$0x1] =	stream.linear.gather [hbm4b:s17+s5], $0x80, $0x38;
	[tilespmem:$0x2880] =	vst v63  }
0x5a: {  	s19 =	sadd.s32 $0x60, s9;
	s20 =	simm.s32 $0x1A00  }
0x5b: {  	[tilespmem:s20], [sflag:$0x1] =	stream.linear.gather [hbm4b:s19+s5], $0x80, $0x38;
	[tilespmem:$0x2880] =	vst v63  }
0x5c: {  	s21 =	simm.s32 $0x1E00;
	s9 =	sadd.s32 $0x70, s9  }
0x5d: {  	[tilespmem:s21], [sflag:$0x1] =	stream.linear.gather [hbm4b:s9+s5], $0x80, $0x38;
	[tilespmem:$0x2880] =	vst v63  }
0x5e: {  	s8 =	sadd.s32 s8, s2;
	s22 =	simm.s32 $0x280  }
0x5f: {  	[tilespmem:s22], [sflag:$0x1] =	stream.linear.gather [hbm4b:s8+s5], $0x80, $0x38;
	[tilespmem:$0x2880] =	vst v63  }
0x60: {  	s23 =	sadd.s32 $0x10, s8;
	s24 =	simm.s32 $0x680  }
0x61: {  	[tilespmem:s24], [sflag:$0x1] =	stream.linear.gather [hbm4b:s23+s5], $0x80, $0x38;
	[tilespmem:$0x2880] =	vst v63  }
0x62: {  	s25 =	sadd.s32 $0x20, s8;
	s26 =	simm.s32 $0xA80  }
0x63: {  	[tilespmem:s26], [sflag:$0x1] =	stream.linear.gather [hbm4b:s25+s5], $0x80, $0x38;
	[tilespmem:$0x2880] =	vst v63  }
0x64: {  	s28 =	sadd.s32 $0x30, s8;
	s29 =	simm.s32 $0xE80  }
0x65: {  	[tilespmem:s29], [sflag:$0x1] =	stream.linear.gather [hbm4b:s28+s5], $0x80, $0x38;
	[tilespmem:$0x2880] =	vst v63  }
0x66: {  	s30 =	sadd.s32 $0x40, s8;
	s31 =	simm.s32 $0x1280  }
0x67: {  	[tilespmem:s31], [sflag:$0x1] =	stream.linear.gather [hbm4b:s30+s5], $0x80, $0x38;
	[tilespmem:$0x2880] =	vst v63  }
0x68: {  	s11 =	sadd.s32 $0x50, s8;
	s12 =	simm.s32 $0x1680  }
0x69: {  	[tilespmem:s12], [sflag:$0x1] =	stream.linear.gather [hbm4b:s11+s5], $0x80, $0x38;
	[tilespmem:$0x2880] =	vst v63  }
0x6a: {  	s13 =	sadd.s32 $0x60, s8;
	s14 =	simm.s32 $0x1A80  }
0x6b: {  	[tilespmem:s14], [sflag:$0x1] =	stream.linear.gather [hbm4b:s13+s5], $0x80, $0x38;
	[tilespmem:$0x2880] =	vst v63  }
0x6c: {  	s15 =	simm.s32 $0x1E80;
	s8 =	sadd.s32 $0x70, s8  }
0x6d: {  	[tilespmem:s15], [sflag:$0x1] =	stream.linear.gather [hbm4b:s8+s5], $0x80, $0x38;
	[tilespmem:$0x2880] =	vst v63  }
0x6e: {  	s7 =	sadd.s32 s7, s2;
	s16 =	simm.s32 $0x300  }
0x6f: {  	[tilespmem:s16], [sflag:$0x1] =	stream.linear.gather [hbm4b:s7+s5], $0x80, $0x38;
	[tilespmem:$0x2880] =	vst v63  }
0x70: {  	s17 =	sadd.s32 $0x10, s7;
	s18 =	simm.s32 $0x700  }
0x71: {  	[tilespmem:s18], [sflag:$0x1] =	stream.linear.gather [hbm4b:s17+s5], $0x80, $0x38;
	[tilespmem:$0x2880] =	vst v63  }
0x72: {  	s19 =	sadd.s32 $0x20, s7;
	s20 =	simm.s32 $0xB00  }
0x73: {  	[tilespmem:s20], [sflag:$0x1] =	stream.linear.gather [hbm4b:s19+s5], $0x80, $0x38;
	[tilespmem:$0x2880] =	vst v63  }
0x74: {  	s21 =	sadd.s32 $0x30, s7;
	s22 =	simm.s32 $0xF00  }
0x75: {  	[tilespmem:s22], [sflag:$0x1] =	stream.linear.gather [hbm4b:s21+s5], $0x80, $0x38;
	[tilespmem:$0x2880] =	vst v63  }
0x76: {  	s23 =	sadd.s32 $0x40, s7;
	s24 =	simm.s32 $0x1300  }
0x77: {  	[tilespmem:s24], [sflag:$0x1] =	stream.linear.gather [hbm4b:s23+s5], $0x80, $0x38;
	[tilespmem:$0x2880] =	vst v63  }
0x78: {  	s25 =	sadd.s32 $0x50, s7;
	s26 =	simm.s32 $0x1700  }
0x79: {  	[tilespmem:s26], [sflag:$0x1] =	stream.linear.gather [hbm4b:s25+s5], $0x80, $0x38;
	[tilespmem:$0x2880] =	vst v63  }
0x7a: {  	s28 =	sadd.s32 $0x60, s7;
	s29 =	simm.s32 $0x1B00  }
0x7b: {  	[tilespmem:s29], [sflag:$0x1] =	stream.linear.gather [hbm4b:s28+s5], $0x80, $0x38;
	[tilespmem:$0x2880] =	vst v63  }
0x7c: {  	s30 =	simm.s32 $0x1F00;
	s7 =	sadd.s32 $0x70, s7  }
0x7d: {  	[tilespmem:s30], [sflag:$0x1] =	stream.linear.gather [hbm4b:s7+s5], $0x80, $0x38;
	[tilespmem:$0x2880] =	vst v63  }
0x7e: {  	s6 =	sadd.s32 s6, s2;
	s31 =	simm.s32 $0x380  }
0x7f: {  	[tilespmem:s31], [sflag:$0x1] =	stream.linear.gather [hbm4b:s6+s5], $0x80, $0x38;
	[tilespmem:$0x2880] =	vst v63  }
0x80: {  	s9 =	simm.s32 $0x780;
	s8 =	sadd.s32 $0x10, s6  }
0x81: {  	[tilespmem:s9], [sflag:$0x1] =	stream.linear.gather [hbm4b:s8+s5], $0x80, $0x38;
	[tilespmem:$0x2880] =	vst v63  }
0x82: {  	s10 =	sadd.s32 $0x20, s6;
	s11 =	simm.s32 $0xB80  }
0x83: {  	[tilespmem:s11], [sflag:$0x1] =	stream.linear.gather [hbm4b:s10+s5], $0x80, $0x38;
	[tilespmem:$0x2880] =	vst v63  }
0x84: {  	s12 =	sadd.s32 $0x30, s6;
	s13 =	simm.s32 $0xF80  }
0x85: {  	[tilespmem:s13], [sflag:$0x1] =	stream.linear.gather [hbm4b:s12+s5], $0x80, $0x38;
	[tilespmem:$0x2880] =	vst v63  }
0x86: {  	s14 =	sadd.s32 $0x40, s6;
	s15 =	simm.s32 $0x1380  }
0x87: {  	[tilespmem:s15], [sflag:$0x1] =	stream.linear.gather [hbm4b:s14+s5], $0x80, $0x38;
	[tilespmem:$0x2880] =	vst v63  }
0x88: {  	s16 =	sadd.s32 $0x50, s6;
	s17 =	simm.s32 $0x1780  }
0x89: {  	[tilespmem:s17], [sflag:$0x1] =	stream.linear.gather [hbm4b:s16+s5], $0x80, $0x38;
	[tilespmem:$0x2880] =	vst v63  }
0x8a: {  	s18 =	sadd.s32 $0x60, s6;
	s19 =	simm.s32 $0x1B80  }
0x8b: {  	[tilespmem:s19], [sflag:$0x1] =	stream.linear.gather [hbm4b:s18+s5], $0x80, $0x38;
	[tilespmem:$0x2880] =	vst v63  }
0x8c: {  	s20 =	simm.s32 $0x1F80;
	s21 =	simm.s32 $0x1;
	s6 =	sadd.s32 $0x70, s6  }
0x8d: {  	[tilespmem:s20], [sflag:$0x1] =	stream.linear.gather [hbm4b:s6+s5], $0x80, $0x38;
	[tilespmem:$0x2880] =	vst v63  }
0x8e: {  	_ =	swait.ge [sflag:s21], $0x80  }
0x8f: {  	[sflag:s21] =	ssyncset.done $0x0  }
0x90: {  	[sflag:s21] =	ssyncadd.s32 $0xFFFFFF80  }
0x91: {  	_ =	swait.ge [sflag:s21], $0x400  }
0x92: {  	[sflag:s21] =	ssyncset.done $0x0  }
0x93: {  	[sflag:s21] =	ssyncadd.s32 $0xFFFFFC00  }
0x94: {  	_ =	swait.ge [sflag:s21], $0x400  }
0x95: {  	[sflag:s21] =	ssyncset.done $0x0  }
0x96: {  	[sflag:s21] =	ssyncadd.s32 $0xFFFFFC00  }
0x97: {  	_ =	swait.ge [sflag:s21], $0x400  }
0x98: {  	[sflag:s21] =	ssyncset.done $0x0  }
0x99: {  	[sflag:s21] =	ssyncadd.s32 $0xFFFFFC00  }
0x9a: {  	_ =	swait.ge [sflag:s21], $0x400  }
0x9b: {  	[sflag:s21] =	ssyncset.done $0x0  }
0x9c: {  	[sflag:s21] =	ssyncadd.s32 $0xFFFFFC00  }
0x9d: {  	_ =	swait.ge [sflag:s21], $0x400  }
0x9e: {  	[sflag:s21] =	ssyncset.done $0x0  }
0x9f: {  	[sflag:s21] =	ssyncadd.s32 $0xFFFFFC00  }
0xa0: {  	_ =	swait.ge [sflag:s21], $0x400  }
0xa1: {  	[sflag:s21] =	ssyncset.done $0x0  }
0xa2: {  	[sflag:s21] =	ssyncadd.s32 $0xFFFFFC00  }
0xa3: {  	_ =	swait.ge [sflag:s21], $0x400  }
0xa4: {  	[sflag:s21] =	ssyncset.done $0x0  }
0xa5: {  	[sflag:s21] =	ssyncadd.s32 $0xFFFFFC00  }
0xa6: {  	s22 =	simm.s32 $0x0;
	_ =	swait.ge [sflag:s21], $0x400  }
0xa7: {  	s7 =	sand.u32 $0x70, s22;
	s5 =	sand.u32 $0x1C00, s5;
	[sflag:s21] =	ssyncset.done $0x0  }
0xa8: {  	s5 =	sor.u32 s7, s5;
	[sflag:s21] =	ssyncadd.s32 $0xFFFFFC00  }
0xa9: {  	v0 =	vimm.s32 $0x3A;
	v1 =	vld [tilespmem:s5+$0x0]  }
0xaa: {  	v2 =	vld [tilespmem:s5+$0x80];
	_ =	sdelay $0x1  }
0xab: {  	v3 =	vld [tilespmem:s5+$0x100]  }
0xac: {  	v4 =	vld [tilespmem:s5+$0x180]  }
0xad: {  	s23 =	simm.s32 $0x10;
	s24 =	simm.s32 $0x80;
	v0 =	vld.idx.msk [tilespmem:v0+s3+$0x0], $0xffff  }
0xae: {  	s6 =	sand.u32 $0x70, s23;
	s7 =	sand.u32 $0x1C00, s24;
	v5 =	vld [tilespmem:s5+$0x200];
	v2 =	vadd.s32 $0x7, v2  }
0xaf: {  	s25 =	sor.u32 s6, s7;
	v6 =	vld [tilespmem:s5+$0x280]  }
0xb0: {  	v9 =	vld [tilespmem:s25+$0x0];
	v3 =	vadd.s32 $0xD, v3  }
0xb1: {  	v1 =	vld.idx.msk [tilespmem:v1+s3+$0x0], $0xffff  }
0xb2: {  	v7 =	vld [tilespmem:s5+$0x300];
	v4 =	vadd.s32 $0x19, v4  }
0xb3: {  	v2 =	vld.idx.msk [tilespmem:v2+s3+$0x0], $0xffff  }
0xb4: {  	v8 =	vld [tilespmem:s5+$0x380];
	v5 =	vadd.s32 $0x1D, v5  }
0xb5: {  	v6 =	vadd.s32 $0x23, v6;
	v3 =	vld.idx.msk [tilespmem:v3+s3+$0x0], $0xffff  }
0xb6: {  	v10 =	vld [tilespmem:s25+$0x80];
	v1 =	vadd.f32 v1, v0  }
0xb7: {  	v7 =	vadd.s32 $0x28, v7;
	v4 =	vld.idx.msk [tilespmem:v4+s3+$0x0], $0xffff  }
0xb8: {  	v9 =	vld.idx.msk [tilespmem:v9+s3+$0x0], $0xffff;
	v1 =	vadd.f32 v2, v1  }
0xb9: {  	v5 =	vld.idx.msk [tilespmem:v5+s3+$0x0], $0xffff  }
0xba: {  	v8 =	vadd.s32 $0x2C, v8;
	v6 =	vld.idx.msk [tilespmem:v6+s3+$0x0], $0xffff;
	v1 =	vadd.f32 v3, v1  }
0xbb: {  	v2 =	vld [tilespmem:s25+$0x100]  }
0xbc: {  	v7 =	vld.idx.msk [tilespmem:v7+s3+$0x0], $0xffff;
	v1 =	vadd.f32 v4, v1  }
0xbd: {  	v3 =	vld [tilespmem:s25+$0x180];
	v4 =	vadd.s32 $0x7, v10  }
0xbe: {  	v10 =	vld [tilespmem:s25+$0x200];
	v1 =	vadd.f32 v5, v1  }
0xbf: {  	v8 =	vld.idx.msk [tilespmem:v8+s3+$0x0], $0xffff  }
0xc0: {  	v2 =	vadd.s32 $0xD, v2;
	v5 =	vld [tilespmem:s25+$0x280];
	v1 =	vadd.f32 v6, v1  }
0xc1: {  	s26 =	simm.s32 $0x20;
	s28 =	simm.s32 $0x100;
	v6 =	vld [tilespmem:s25+$0x300]  }
0xc2: {  	s6 =	sand.u32 $0x70, s26;
	s7 =	sand.u32 $0x1C00, s28;
	v3 =	vadd.s32 $0x19, v3;
	v4 =	vld.idx.msk [tilespmem:v4+s3+$0x0], $0xffff;
	v1 =	vadd.f32 v7, v1  }
0xc3: {  	s29 =	sor.u32 s6, s7;
	v7 =	vadd.s32 $0x1D, v10;
	v10 =	vld [tilespmem:s25+$0x380]  }
0xc4: {  	v11 =	vld [tilespmem:s29+$0x80];
	v1 =	vadd.f32 v8, v1  }
0xc5: {  	v2 =	vld.idx.msk [tilespmem:v2+s3+$0x0], $0xffff;
	v5 =	vadd.s32 $0x23, v5  }
0xc6: {  	v9 =	vadd.f32 v9, v0;
	v8 =	vld [tilespmem:s29+$0x0];
	v1 =	vsub.f32 $0.0e+00, v1  }
0xc7: {  	v3 =	vld.idx.msk [tilespmem:v3+s3+$0x0], $0xffff;
	v6 =	vadd.s32 $0x28, v6  }
0xc8: {  	v12 =	vld [tilespmem:s29+$0x100];
	v4 =	vadd.f32 v4, v9;
	v10 =	vadd.s32 $0x2C, v10;
	v1 =	vmul.f32 $1.442695020e+00, v1  }
0xc9: {  	v7 =	vld.idx.msk [tilespmem:v7+s3+$0x0], $0xffff  }
0xca: {  	v5 =	vld.idx.msk [tilespmem:v5+s3+$0x0], $0xffff;
	v2 =	vadd.f32 v2, v4;
	(erf) = vpow2.f32 v1  }
0xcb: {  	v1 =	vld [tilespmem:s29+$0x180]  }
0xcc: {  	v11 =	vadd.s32 $0x7, v11;
	v6 =	vld.idx.msk [tilespmem:v6+s3+$0x0], $0xffff;
	v2 =	vadd.f32 v3, v2  }
0xcd: {  	v9 =	vld.idx.msk [tilespmem:v10+s3+$0x0], $0xffff  }
0xce: {  	v10 =	vadd.s32 $0xD, v12;
	v4 =	vld.idx.msk [tilespmem:v8+s3+$0x0], $0xffff;
	v2 =	vadd.f32 v7, v2  }
0xcf: {  	v13 =	vld [tilespmem:s29+$0x200]  }
0xd0: {  	v60 =	vld [tilespmem:s29+$0x280];
	v2 =	vadd.f32 v5, v2  }
0xd1: {  	v3 =	vld.idx.msk [tilespmem:v11+s3+$0x0], $0xffff  }
0xd2: {  	s9 =	simm.s32 $0x180;
	s7 =	simm.s32 $0x30;
	v8 =	vld [tilespmem:s29+$0x300];
	v1 =	vadd.s32 $0x19, v1;
	v2 =	vadd.f32 v6, v2  }
0xd3: {  	s31 =	sand.u32 $0x1C00, s9;
	s30 =	sand.u32 $0x70, s7;
	v10 =	vld.idx.msk [tilespmem:v10+s3+$0x0], $0xffff;
	v4 =	vadd.f32 v4, v0;
	v7 =	vpop (erf)  }
0xd4: {  	s10 =	sor.u32 s30, s31;
	v61 =	vld [tilespmem:s29+$0x380];
	v11 =	vadd.s32 $0x1D, v13;
	v2 =	vadd.f32 v9, v2;
	v7 =	vadd.f32 $1.000000000e+00, v7  }
0xd5: {  	v14 =	vld [tilespmem:s10+$0x0];
	v12 =	vadd.s32 $0x23, v60  }
0xd6: {  	v62 =	vld [tilespmem:s10+$0x180];
	v3 =	vadd.f32 v3, v4;
	v2 =	vsub.f32 $0.0e+00, v2;
	(erf) = vrcp.f32 v7  }
0xd7: {  	v5 =	vadd.s32 $0x28, v8;
	v1 =	vld.idx.msk [tilespmem:v1+s3+$0x0], $0xffff  }
0xd8: {  	v7 =	vld [tilespmem:s10+$0x80];
	v3 =	vadd.f32 v10, v3;
	v10 =	vmul.f32 $1.442695020e+00, v2  }
0xd9: {  	v6 =	vld.idx.msk [tilespmem:v11+s3+$0x0], $0xffff;
	v11 =	vadd.s32 $0x2C, v61  }
0xda: {  	v8 =	vld [tilespmem:s10+$0x100];
	(erf) = vpow2.f32 v10  }
0xdb: {  	v9 =	vld.idx.msk [tilespmem:v12+s3+$0x0], $0xffff  }
0xdc: {  	v4 =	vld.idx.msk [tilespmem:v5+s3+$0x0], $0xffff;
	v1 =	vadd.f32 v1, v3  }
0xdd: {  	v5 =	vld [tilespmem:s10+$0x200];
	v10 =	vadd.s32 $0x7, v7  }
0xde: {  	v2 =	vld.idx.msk [tilespmem:v11+s3+$0x0], $0xffff;
	v1 =	vadd.f32 v6, v1  }
0xdf: {  	v3 =	vld [tilespmem:s10+$0x280];
	v7 =	vadd.s32 $0xD, v8;
	v63 =	vpop (erf)  }
0xe0: {  	s6 =	simm.s32 $0x2080;
	v6 =	vld.idx.msk [tilespmem:v14+s3+$0x0], $0xffff;
	v11 =	vadd.f32 v9, v1;
	v1 =	vsub.f32 $1.000000000e+00, v63  }
0xe1: {  	s8 =	simm.s32 $0x2480;
	s5 =	sadd.s32 $0x1000, s4;
	s4 =	sadd.s32 $0x1800, s4;
	v8 =	vld [tilespmem:s10+$0x300];
	v9 =	vadd.s32 $0x19, v62;
	[tilespmem:s6+$0x0] =	vst v63  }
.LBB2_1:
0xe2: {  	s7 =	sadd.s32 $0x10, s7;
	v10 =	vld.idx.msk [tilespmem:v10+s3+$0x0], $0xffff;
	s9 =	sadd.s32 $0x80, s9;
	v4 =	vadd.f32 v4, v11;
	[tilespmem:s8+$0x0] =	vst v1  }
0xe3: {  	v1 =	vadd.s32 $0x1D, v5;
	s11 =	sand.u32 $0x70, s7;
	s12 =	sand.u32 $0x1C00, s9;
	v5 =	vld [tilespmem:s10+$0x380];
	v11 =	vpop (erf)  }
0xe4: {  	s10 =	sor.u32 s11, s12;
	v7 =	vld.idx.msk [tilespmem:v7+s3+$0x0], $0xffff;
	v2 =	vadd.f32 v2, v4;
	v4 =	vadd.f32 $1.000000000e+00, v11  }
0xe5: {  	p0 =	slt.u32 s7, $0x3F0;
	v3 =	vadd.s32 $0x23, v3;
	v11 =	vld [tilespmem:s10+$0x0]  }
0xe6: {  	v6 =	vadd.f32 v6, v0;
	v9 =	vld.idx.msk [tilespmem:v9+s3+$0x0], $0xffff;
	v2 =	vsub.f32 $0.0e+00, v2;
	(erf) = vrcp.f32 v4  }
0xe7: {  	v4 =	vadd.s32 $0x28, v8;
	v12 =	vld [tilespmem:s10+$0x80]  }
0xe8: {  	v6 =	vadd.f32 v10, v6;
	v1 =	vld.idx.msk [tilespmem:v1+s3+$0x0], $0xffff;
	v2 =	vmul.f32 $1.442695020e+00, v2  }
0xe9: {  	v13 =	vadd.s32 $0x2C, v5;
	v8 =	vld [tilespmem:s10+$0x100]  }
0xea: {  	v5 =	vadd.f32 v7, v6;
	v14 =	vld.idx.msk [tilespmem:v3+s3+$0x0], $0xffff;
	(erf) = vpow2.f32 v2  }
0xeb: {  	v15 =	vld [tilespmem:s10+$0x180]  }
0xec: {  	v2 =	vadd.f32 v9, v5;
	v4 =	vld.idx.msk [tilespmem:v4+s3+$0x0], $0xffff  }
.Ltmp0:
0xed: {  	v10 =	vadd.s32 $0x7, v12;
	v5 =	vld [tilespmem:s10+$0x200];
	(pc) =	sbr.rel @p0 .LBB2_1-.Ltmp0, $4  }
0xee: {  	v1 =	vadd.f32 v1, v2;
	v2 =	vld.idx.msk [tilespmem:v13+s3+$0x0], $0xffff  }
0xef: {  	v7 =	vadd.s32 $0xD, v8;
	v3 =	vld [tilespmem:s10+$0x280];
	v12 =	vpop (erf)  }
0xf0: {  	s6 =	sadd.s32 $0x10, s6;
	v6 =	vld.idx.msk [tilespmem:v11+s3+$0x0], $0xffff;
	v11 =	vadd.f32 v14, v1;
	v1 =	vsub.f32 $1.000000000e+00, v12  }
0xf1: {  	s8 =	sadd.s32 $0x10, s8;
	v9 =	vadd.s32 $0x19, v15;
	v8 =	vld [tilespmem:s10+$0x300];
	[tilespmem:s6+$0x0] =	vst v12  }
0xf2: {  	_ =	sdelay $0x3  }
0xf3: {  	v10 =	vld.idx.msk [tilespmem:v10+s3+$0x0], $0xffff  }
0xf4: {  	v5 =	vadd.s32 $0x1D, v5;
	v12 =	vld [tilespmem:s10+$0x380]  }
0xf5: {  	v4 =	vadd.f32 v4, v11;
	v7 =	vld.idx.msk [tilespmem:v7+s3+$0x0], $0xffff  }
0xf6: {  	v3 =	vadd.s32 $0x23, v3;
	v0 =	vadd.f32 v6, v0  }
0xf7: {  	v50 =	vld.idx.msk [tilespmem:v9+s3+$0x0], $0xffff;
	v2 =	vadd.f32 v2, v4  }
0xf8: {  	v51 =	vadd.s32 $0x28, v8;
	v0 =	vadd.f32 v10, v0  }
0xf9: {  	v52 =	vpop (erf);
	v2 =	vsub.f32 $0.0e+00, v2;
	v5 =	vld.idx.msk [tilespmem:v5+s3+$0x0], $0xffff  }
0xfa: {  	v8 =	vadd.f32 $1.000000000e+00, v52;
	v53 =	vadd.s32 $0x2C, v12;
	v0 =	vadd.f32 v7, v0  }
0xfb: {  	v2 =	vmul.f32 $1.442695020e+00, v2;
	v3 =	vld.idx.msk [tilespmem:v3+s3+$0x0], $0xffff  }
0xfc: {  	(erf) = vrcp.f32 v8;
	v0 =	vadd.f32 v50, v0  }
0xfd: {  	(erf) = vpow2.f32 v2;
	v54 =	vld.idx.msk [tilespmem:v51+s3+$0x0], $0xffff  }
0xfe: {  	v0 =	vadd.f32 v5, v0  }
0xff: {  	v55 =	vld.idx.msk [tilespmem:v53+s3+$0x0], $0xffff  }
0x100: {  	v0 =	vadd.f32 v3, v0;
	_ =	sdelay $0x1  }
0x101: {  	v0 =	vadd.f32 v54, v0;
	_ =	sdelay $0x1  }
0x102: {  	v0 =	vadd.f32 v55, v0  }
0x103: {  	v56 =	vpop (erf)  }
0x104: {  	v57 =	vpop (erf);
	v0 =	vsub.f32 $0.0e+00, v0  }
0x105: {  	v3 =	vadd.f32 $1.000000000e+00, v57  }
0x106: {  	v0 =	vmul.f32 $1.442695020e+00, v0  }
0x107: {  	(erf) = vrcp.f32 v3  }
0x108: {  	(erf) = vpow2.f32 v0;
	_ =	sdelay $0x7  }
0x109: {  	v58 =	vpop (erf)  }
0x10a: {  	v59 =	vpop (erf)  }
0x10b: {  	v3 =	vadd.f32 $1.000000000e+00, v59;
	_ =	sdelay $0x1  }
0x10c: {  	(erf) = vrcp.f32 v3;
	_ =	sdelay $0x5  }
0x10d: {  	[tilespmem:s8+$0x0] =	vst v1;
	s22 =	sadd.s32 $0x10, s6;
	v60 =	vsub.f32 $1.000000000e+00, v56  }
0x10e: {  	s23 =	sadd.s32 $0x10, s8;
	[tilespmem:s22+$0x0] =	vst v56  }
0x10f: {  	s3 =	sadd.s32 $0x10, s22;
	[tilespmem:s23+$0x0] =	vst v60;
	v61 =	vsub.f32 $1.000000000e+00, v58  }
0x110: {  	s6 =	sadd.s32 $0x10, s23;
	[tilespmem:s3+$0x0] =	vst v58;
	v62 =	vpop (erf)  }
0x111: {  	s3 =	sadd.s32 $0x10, s3;
	[tilespmem:s6+$0x0] =	vst v61;
	v63 =	vsub.f32 $1.000000000e+00, v62  }
0x112: {  	s24 =	sadd.s32 $0x10, s6;
	[tilespmem:s3+$0x0] =	vst v62  }
0x113: {  	s25 =	sadd.s32 s5, s2;
	s26 =	simm.s32 $0x0;
	s28 =	simm.s32 $0x2080;
	[tilespmem:s24+$0x0] =	vst v63  }
0x114: {  	[hbm4b:s25+s26] =	stream.linear.scatter [tilespmem:s28], [sflag:$0x1], $0x400, $0x38;
	[tilespmem:$0x2880] =	vst v63  }
0x115: {  	s29 =	sadd.s32 s4, s2;
	s30 =	simm.s32 $0x2480;
	s31 =	simm.s32 $0x1  }
0x116: {  	[hbm4b:s29+s26] =	stream.linear.scatter [tilespmem:s30], [sflag:$0x1], $0x400, $0x38;
	[tilespmem:$0x2880] =	vst v63  }
0x117: {  	_ =	swait.ge [sflag:s31], $0x400  }
0x118: {  	[sflag:s31] =	ssyncset.done $0x0  }
0x119: {  	[sflag:s31] =	ssyncadd.s32 $0xFFFFFC00  }
0x11a: {  	_ =	swait.ge [sflag:s31], $0x400  }
0x11b: {  	[sflag:s31] =	ssyncset.done $0x0  }
0x11c: {  	[sflag:s31] =	ssyncadd.s32 $0xFFFFFC00  }
0x11d: {  	_ =	sfence.sel $0x180000  }
0x11e: {  	[bflag:$0x0] =	sbarrier.arrive $0xFFFF  }
0x11f: {  	p0 =	sne.s32 s1, $0x0;
	_ =	strace $0x90000047  }
0x120: {  	s0 =	sadd.s32 @!p0 $0x100000, s0;
	[bflag:$0x2] =	sbarrier.arrive $0xFFFF  }
0x121: {  	[sflag:s0] =	ssyncadd.tile.s32 @!p0 $0x1;
	_ =	shalt  }
.Lfunc_end2:
_tile_overlayer_lowered:
.L_overlay_start_2:
0x122: {  	(tag) =	ssettag $0x2  }
0x123: {  	s0 =	rddreg [dreg:$0x0];
	s2 =	stileid.u32  }
0x124: {  	s1 =	rddreg [dreg:$0x1];
	p0 =	sne.s32 s2, $0x0  }
0x125: {  	s3 =	rddreg [dreg:$0x2];
	[bflag:$0x3] =	sbarrier.arrive $0xFFFF;
	s2 =	simm.s32 @!p0 $0x1C02  }
0x126: {  	[timem:s3], [sflag:s2] =	dma.local @!p0 [hbm:s0], s1  }
0x127: {  	s0 =	simm.s32 @!p0 $0x2  }
0x128: {  	_ =	swait.ge @!p0 [sflag:s0], s1  }
0x129: {  	s1 =	ssub.s32 @!p0 $0x0, s1;
	[sflag:s0] =	ssyncset.done @!p0 $0x0  }
0x12a: {  	[sflag:s0] =	ssyncadd.s32 @!p0 s1  }
0x12b: {  	[bflag:$0x3] =	sbarrier.arrive $0xFFFF  }
0x12c: {  	_ =	shalt  }

</sc_bundles>
